<compile_context>
chip_gen: v7x
topology: tpu7x:2x2x1
jax: 0.10.2.dev20260603
libtpu: 0.0.44.dev20260713+nightly
codegen_flags: <defaults>
</compile_context>

<pallas_src>
import functools

import jax
import jax.numpy as jnp
from jax import lax
from jax.experimental import pallas as pl
from jax.experimental.pallas import tpu as pltpu
from jax.experimental.pallas import tpu_sc as plsc

CHUNK = 256
NBUF = 4
NBUF_S = 2


@functools.lru_cache(maxsize=None)
def _make_gather(B, D):
    info = plsc.get_sparse_core_info()
    NC, NS = info.num_cores, info.num_subcores
    NW = NC * NS
    assert B % (NW * CHUNK * NBUF) == 0
    b_per_w = B // NW
    n_chunks = b_per_w // CHUNK
    n_groups = n_chunks // NBUF

    mesh = plsc.VectorSubcoreMesh(core_axis_name="c", subcore_axis_name="s")

    @functools.partial(
        pl.kernel,
        mesh=mesh,
        out_type=jax.ShapeDtypeStruct((B, D), jnp.float32),
        scratch_types=[
            pltpu.VMEM((n_chunks, CHUNK), jnp.int32),
            pltpu.VMEM((NBUF, CHUNK, D), jnp.float32),
            pltpu.VMEM_SHARED((NS, NBUF_S, CHUNK, D), jnp.float32),
            pltpu.SemaphoreType.DMA((NBUF,)),
            pltpu.SemaphoreType.DMA((NBUF_S,)),
        ],
        compiler_params=pltpu.CompilerParams(use_tc_tiling_on_sc=False),
    )
    def gather_kernel(idx_hbm, table_hbm, out_hbm, idx_v, rows_v, sp, gsem, ssem):
        cid = lax.axis_index("c")
        sid = lax.axis_index("s")
        wid = sid * NC + cid
        base = wid * b_per_w
        pltpu.sync_copy(idx_hbm.at[wid], idx_v)

        def start_gather(j, b):
            pltpu.async_copy(table_hbm.at[idx_v.at[j]], rows_v.at[b], gsem.at[b])

        def wait_gather(b):
            pltpu.make_async_copy(
                table_hbm.at[idx_v.at[0]], rows_v.at[b], gsem.at[b]
            ).wait()

        def start_scatter(j, s):
            pltpu.async_copy(
                sp.at[sid, s], out_hbm.at[pl.ds(base + j * CHUNK, CHUNK)], ssem.at[s]
            )

        def wait_scatter(s):
            pltpu.make_async_copy(
                sp.at[sid, s], out_hbm.at[pl.ds(base, CHUNK)], ssem.at[s]
            ).wait()

        for b in range(NBUF):
            start_gather(b, b)

        def group(g, carry):
            for b in range(NBUF):
                s = b % NBUF_S
                wait_gather(b)
                if b >= NBUF_S:
                    wait_scatter(s)
                else:

                    @pl.when(g > 0)
                    def _drain():
                        wait_scatter(s)

                pltpu.sync_copy(rows_v.at[b], sp.at[sid, s])
                start_scatter(g * NBUF + b, s)

                @pl.when(g < n_groups - 1)
                def _prefetch():
                    start_gather((g + 1) * NBUF + b, b)

            return carry

        lax.fori_loop(0, n_groups, group, 0)
        for s in range(NBUF_S):
            wait_scatter(s)

    def run(idx, table):
        idx3 = idx.reshape(NW, n_chunks, CHUNK)
        return gather_kernel(idx3, table)

    return run


def kernel(token_ids, weight):
    B = token_ids.size
    idx = token_ids.reshape(B).astype(jnp.int32)
    out = _make_gather(B, weight.shape[1])(idx, weight)
    return out.reshape(*token_ids.shape, weight.shape[1])

# --- scband reference (transcript-rebuilt; emitter-appended) ---
"""Pipeline reference for scband-embedding-75265006895124 (READ-ONLY COPY).

The authoritative reference and input builder live on the scoring server;
editing this copy changes nothing except your own understanding.
"""

import jax, jax.numpy as jnp
import numpy as np

NUM_EMBEDDINGS = 1000000
EMBEDDING_DIM = 64
BATCH = 16384
HIST = 50

def setup_inputs(seed: int = 0) -> dict:
    key = jax.random.key(seed)
    k_idx, k_w = jax.random.split(key)
    token_ids = jax.random.randint(k_idx, (BATCH, HIST), 0, NUM_EMBEDDINGS, dtype=jnp.int64 if jax.config.jax_enable_x64 else jnp.int32)
    # truncated normal init, mean=0, std=1, a=-3, b=3
    weight = jax.random.truncated_normal(k_w, -3.0, 3.0, (NUM_EMBEDDINGS, EMBEDDING_DIM), dtype=jnp.float32)
    return {"token_ids": token_ids, "weight": weight}

def reference(token_ids, weight):
    # Embedding lookup: weight[token_ids]
    return jnp.take(weight, token_ids, axis=0)

if __name__ == "__main__":
    import jax
    _d = setup_inputs()
    print(jax.jit(kernel)(*tuple(_d.values())))

</pallas_src>

<mosaic_0001>
#map = affine_map<(d0, d1) -> (0, 0, 0)>
#map1 = affine_map<(d0, d1) -> (0, 0)>
module attributes {stable_mosaic.version = 14 : i64} {
  func.func @gather_kernel(%arg0: i32, %arg1: i32, %arg2: memref<32x100x256xi32, #tpu.memory_space<hbm>>, %arg3: memref<1000000x64xf32, #tpu.memory_space<hbm>>, %arg4: memref<819200x64xf32, #tpu.memory_space<hbm>>, %arg5: memref<100x256xi32, #tpu.memory_space<vmem>>, %arg6: memref<4x256x64xf32, #tpu.memory_space<vmem>>, %arg7: memref<16x2x256x64xf32, #tpu.memory_space<vmem_shared>>, %arg8: memref<4x!tpu.dma_semaphore, #tpu.memory_space<semaphore_mem>>, %arg9: memref<2x!tpu.dma_semaphore, #tpu.memory_space<semaphore_mem>>) attributes {dimension_semantics = [#tpu.dimension_semantics<core_parallel>, #tpu.dimension_semantics<subcore_parallel>], iteration_bounds = array<i64: 2, 16>, scalar_prefetch = 0 : i64, scratch_operands = 5 : i64, tpu.core_type = #tpu.core_type<sc_vector_subcore>, window_params = [{transform_indices = #map}, {transform_indices = #map1}, {transform_indices = #map1}]} {
    %mul3A = arith.constant 2 : i32
    %mul3A_0 = arith.muli %arg1, %mul3A : i32
    %add3A = arith.addi %mul3A_0, %arg0 : i32
    %mul3A_1 = arith.constant 25600 : i32
    %mul3A_2 = arith.muli %add3A, %mul3A_1 : i32
    "tpu.region"() ({
      %run_scoped3A = tpu.sem_alloc : memref<!tpu.dma_semaphore, #tpu.memory_space<semaphore_mem>>
      %dma_start3A_86 = arith.constant 0 : i32
      %dma_start3A_87 = arith.constant 0 : i32
      %dma_start3A_88 = tpu.memref_slice %arg2[%add3A, %dma_start3A_86, %dma_start3A_87] : memref<32x100x256xi32, #tpu.memory_space<hbm>> -> memref<1x100x256xi32, #tpu.memory_space<hbm>>
      %dma_start3A_89 = tpu.memref_squeeze %dma_start3A_88 : memref<1x100x256xi32, #tpu.memory_space<hbm>> -> memref<100x256xi32, #tpu.memory_space<hbm>>
      %dma_start3A_90 = arith.constant 0 : i32
      %dma_start3A_91 = arith.constant 0 : i32
      %dma_start3A_92 = tpu.memref_slice %arg2[%add3A, %dma_start3A_90, %dma_start3A_91] : memref<32x100x256xi32, #tpu.memory_space<hbm>> -> memref<1x100x256xi32, #tpu.memory_space<hbm>>
      %dma_start3A_93 = tpu.memref_squeeze %dma_start3A_92 : memref<1x100x256xi32, #tpu.memory_space<hbm>> -> memref<100x256xi32, #tpu.memory_space<hbm>>
      tpu.enqueue_dma source(%dma_start3A_93 : memref<100x256xi32, #tpu.memory_space<hbm>>) target(%arg5 : memref<100x256xi32, #tpu.memory_space<vmem>>) target_semaphore(%run_scoped3A : memref<!tpu.dma_semaphore, #tpu.memory_space<semaphore_mem>>)
      %dma_wait3A_94 = arith.constant 0 : i32
      %dma_wait3A_95 = arith.constant 0 : i32
      %dma_wait3A_96 = tpu.memref_slice %arg2[%add3A, %dma_wait3A_94, %dma_wait3A_95] : memref<32x100x256xi32, #tpu.memory_space<hbm>> -> memref<1x100x256xi32, #tpu.memory_space<hbm>>
      %dma_wait3A_97 = tpu.memref_squeeze %dma_wait3A_96 : memref<1x100x256xi32, #tpu.memory_space<hbm>> -> memref<100x256xi32, #tpu.memory_space<hbm>>
      %dma_wait3A_98 = arith.constant 0 : i32
      %dma_wait3A_99 = arith.constant 0 : i32
      %dma_wait3A_100 = tpu.memref_slice %arg2[%add3A, %dma_wait3A_98, %dma_wait3A_99] : memref<32x100x256xi32, #tpu.memory_space<hbm>> -> memref<1x100x256xi32, #tpu.memory_space<hbm>>
      %dma_wait3A_101 = tpu.memref_squeeze %dma_wait3A_100 : memref<1x100x256xi32, #tpu.memory_space<hbm>> -> memref<100x256xi32, #tpu.memory_space<hbm>>
      tpu.wait_dma2 semaphore(%run_scoped3A : memref<!tpu.dma_semaphore, #tpu.memory_space<semaphore_mem>>) src(%dma_wait3A_101 : memref<100x256xi32, #tpu.memory_space<hbm>>) dst(%arg5 : memref<100x256xi32, #tpu.memory_space<vmem>>)
      tpu.yield
    }) : () -> ()
    %dma_start3A = arith.constant 0 : i32
    %dma_start3A_3 = arith.constant 0 : i32
    %dma_start3A_4 = arith.constant 0 : i32
    %dma_start3A_5 = arith.constant 0 : i32
    %dma_start3A_6 = arith.constant 0 : i32
    %dma_start3A_7 = tpu.memref_slice %arg6[%dma_start3A_3, %dma_start3A_5, %dma_start3A_6] : memref<4x256x64xf32, #tpu.memory_space<vmem>> -> memref<1x256x64xf32, #tpu.memory_space<vmem>>
    %dma_start3A_8 = tpu.memref_squeeze %dma_start3A_7 : memref<1x256x64xf32, #tpu.memory_space<vmem>> -> memref<256x64xf32, #tpu.memory_space<vmem>>
    %dma_start3A_9 = arith.constant 0 : i32
    %dma_start3A_10 = tpu.memref_slice %arg5[%dma_start3A, %dma_start3A_9] : memref<100x256xi32, #tpu.memory_space<vmem>> -> memref<1x256xi32, #tpu.memory_space<vmem>>
    %dma_start3A_11 = tpu.memref_squeeze %dma_start3A_10 : memref<1x256xi32, #tpu.memory_space<vmem>> -> memref<256xi32, #tpu.memory_space<vmem>>
    %dma_start3A_12 = arith.constant 0 : i32
    %dma_start3A_13 = arith.constant 0 : i32
    %dma_start3A_14 = tpu.memref_slice %arg3[%dma_start3A_12, %dma_start3A_13] : memref<1000000x64xf32, #tpu.memory_space<hbm>> -> memref<1000000x64xf32, #tpu.memory_space<hbm>>
    %dma_start3A_15 = tpu.memref_slice %arg8[%dma_start3A_4] : memref<4x!tpu.dma_semaphore, #tpu.memory_space<semaphore_mem>> -> memref<1x!tpu.dma_semaphore, #tpu.memory_space<semaphore_mem>>
    %dma_start3A_16 = tpu.memref_squeeze %dma_start3A_15 : memref<1x!tpu.dma_semaphore, #tpu.memory_space<semaphore_mem>> -> memref<!tpu.dma_semaphore, #tpu.memory_space<semaphore_mem>>
    tpu.enqueue_indirect_dma source(%dma_start3A_14 : memref<1000000x64xf32, #tpu.memory_space<hbm>>) target(%dma_start3A_8 : memref<256x64xf32, #tpu.memory_space<vmem>>) offsets(%dma_start3A_11 : memref<256xi32, #tpu.memory_space<vmem>>) semaphore(%dma_start3A_16 : memref<!tpu.dma_semaphore, #tpu.memory_space<semaphore_mem>>)
    %dma_start3A_17 = arith.constant 1 : i32
    %dma_start3A_18 = arith.constant 1 : i32
    %dma_start3A_19 = arith.constant 1 : i32
    %dma_start3A_20 = arith.constant 0 : i32
    %dma_start3A_21 = arith.constant 0 : i32
    %dma_start3A_22 = tpu.memref_slice %arg6[%dma_start3A_18, %dma_start3A_20, %dma_start3A_21] : memref<4x256x64xf32, #tpu.memory_space<vmem>> -> memref<1x256x64xf32, #tpu.memory_space<vmem>>
    %dma_start3A_23 = tpu.memref_squeeze %dma_start3A_22 : memref<1x256x64xf32, #tpu.memory_space<vmem>> -> memref<256x64xf32, #tpu.memory_space<vmem>>
    %dma_start3A_24 = arith.constant 0 : i32
    %dma_start3A_25 = tpu.memref_slice %arg5[%dma_start3A_17, %dma_start3A_24] : memref<100x256xi32, #tpu.memory_space<vmem>> -> memref<1x256xi32, #tpu.memory_space<vmem>>
    %dma_start3A_26 = tpu.memref_squeeze %dma_start3A_25 : memref<1x256xi32, #tpu.memory_space<vmem>> -> memref<256xi32, #tpu.memory_space<vmem>>
    %dma_start3A_27 = arith.constant 0 : i32
    %dma_start3A_28 = arith.constant 0 : i32
    %dma_start3A_29 = tpu.memref_slice %arg3[%dma_start3A_27, %dma_start3A_28] : memref<1000000x64xf32, #tpu.memory_space<hbm>> -> memref<1000000x64xf32, #tpu.memory_space<hbm>>
    %dma_start3A_30 = tpu.memref_slice %arg8[%dma_start3A_19] : memref<4x!tpu.dma_semaphore, #tpu.memory_space<semaphore_mem>> -> memref<1x!tpu.dma_semaphore, #tpu.memory_space<semaphore_mem>>
    %dma_start3A_31 = tpu.memref_squeeze %dma_start3A_30 : memref<1x!tpu.dma_semaphore, #tpu.memory_space<semaphore_mem>> -> memref<!tpu.dma_semaphore, #tpu.memory_space<semaphore_mem>>
    tpu.enqueue_indirect_dma source(%dma_start3A_29 : memref<1000000x64xf32, #tpu.memory_space<hbm>>) target(%dma_start3A_23 : memref<256x64xf32, #tpu.memory_space<vmem>>) offsets(%dma_start3A_26 : memref<256xi32, #tpu.memory_space<vmem>>) semaphore(%dma_start3A_31 : memref<!tpu.dma_semaphore, #tpu.memory_space<semaphore_mem>>)
    %dma_start3A_32 = arith.constant 2 : i32
    %dma_start3A_33 = arith.constant 2 : i32
    %dma_start3A_34 = arith.constant 2 : i32
    %dma_start3A_35 = arith.constant 0 : i32
    %dma_start3A_36 = arith.constant 0 : i32
    %dma_start3A_37 = tpu.memref_slice %arg6[%dma_start3A_33, %dma_start3A_35, %dma_start3A_36] : memref<4x256x64xf32, #tpu.memory_space<vmem>> -> memref<1x256x64xf32, #tpu.memory_space<vmem>>
    %dma_start3A_38 = tpu.memref_squeeze %dma_start3A_37 : memref<1x256x64xf32, #tpu.memory_space<vmem>> -> memref<256x64xf32, #tpu.memory_space<vmem>>
    %dma_start3A_39 = arith.constant 0 : i32
    %dma_start3A_40 = tpu.memref_slice %arg5[%dma_start3A_32, %dma_start3A_39] : memref<100x256xi32, #tpu.memory_space<vmem>> -> memref<1x256xi32, #tpu.memory_space<vmem>>
    %dma_start3A_41 = tpu.memref_squeeze %dma_start3A_40 : memref<1x256xi32, #tpu.memory_space<vmem>> -> memref<256xi32, #tpu.memory_space<vmem>>
    %dma_start3A_42 = arith.constant 0 : i32
    %dma_start3A_43 = arith.constant 0 : i32
    %dma_start3A_44 = tpu.memref_slice %arg3[%dma_start3A_42, %dma_start3A_43] : memref<1000000x64xf32, #tpu.memory_space<hbm>> -> memref<1000000x64xf32, #tpu.memory_space<hbm>>
    %dma_start3A_45 = tpu.memref_slice %arg8[%dma_start3A_34] : memref<4x!tpu.dma_semaphore, #tpu.memory_space<semaphore_mem>> -> memref<1x!tpu.dma_semaphore, #tpu.memory_space<semaphore_mem>>
    %dma_start3A_46 = tpu.memref_squeeze %dma_start3A_45 : memref<1x!tpu.dma_semaphore, #tpu.memory_space<semaphore_mem>> -> memref<!tpu.dma_semaphore, #tpu.memory_space<semaphore_mem>>
    tpu.enqueue_indirect_dma source(%dma_start3A_44 : memref<1000000x64xf32, #tpu.memory_space<hbm>>) target(%dma_start3A_38 : memref<256x64xf32, #tpu.memory_space<vmem>>) offsets(%dma_start3A_41 : memref<256xi32, #tpu.memory_space<vmem>>) semaphore(%dma_start3A_46 : memref<!tpu.dma_semaphore, #tpu.memory_space<semaphore_mem>>)
    %dma_start3A_47 = arith.constant 3 : i32
    %dma_start3A_48 = arith.constant 3 : i32
    %dma_start3A_49 = arith.constant 3 : i32
    %dma_start3A_50 = arith.constant 0 : i32
    %dma_start3A_51 = arith.constant 0 : i32
    %dma_start3A_52 = tpu.memref_slice %arg6[%dma_start3A_48, %dma_start3A_50, %dma_start3A_51] : memref<4x256x64xf32, #tpu.memory_space<vmem>> -> memref<1x256x64xf32, #tpu.memory_space<vmem>>
    %dma_start3A_53 = tpu.memref_squeeze %dma_start3A_52 : memref<1x256x64xf32, #tpu.memory_space<vmem>> -> memref<256x64xf32, #tpu.memory_space<vmem>>
    %dma_start3A_54 = arith.constant 0 : i32
    %dma_start3A_55 = tpu.memref_slice %arg5[%dma_start3A_47, %dma_start3A_54] : memref<100x256xi32, #tpu.memory_space<vmem>> -> memref<1x256xi32, #tpu.memory_space<vmem>>
    %dma_start3A_56 = tpu.memref_squeeze %dma_start3A_55 : memref<1x256xi32, #tpu.memory_space<vmem>> -> memref<256xi32, #tpu.memory_space<vmem>>
    %dma_start3A_57 = arith.constant 0 : i32
    %dma_start3A_58 = arith.constant 0 : i32
    %dma_start3A_59 = tpu.memref_slice %arg3[%dma_start3A_57, %dma_start3A_58] : memref<1000000x64xf32, #tpu.memory_space<hbm>> -> memref<1000000x64xf32, #tpu.memory_space<hbm>>
    %dma_start3A_60 = tpu.memref_slice %arg8[%dma_start3A_49] : memref<4x!tpu.dma_semaphore, #tpu.memory_space<semaphore_mem>> -> memref<1x!tpu.dma_semaphore, #tpu.memory_space<semaphore_mem>>
    %dma_start3A_61 = tpu.memref_squeeze %dma_start3A_60 : memref<1x!tpu.dma_semaphore, #tpu.memory_space<semaphore_mem>> -> memref<!tpu.dma_semaphore, #tpu.memory_space<semaphore_mem>>
    tpu.enqueue_indirect_dma source(%dma_start3A_59 : memref<1000000x64xf32, #tpu.memory_space<hbm>>) target(%dma_start3A_53 : memref<256x64xf32, #tpu.memory_space<vmem>>) offsets(%dma_start3A_56 : memref<256xi32, #tpu.memory_space<vmem>>) semaphore(%dma_start3A_61 : memref<!tpu.dma_semaphore, #tpu.memory_space<semaphore_mem>>)
    %scan3A = arith.constant 0 : i32
    %scan3A_62 = arith.constant 0 : i32
    %scan3A_63 = arith.constant 25 : i32
    %scan3A_64 = arith.addi %scan3A_62, %scan3A_63 : i32
    %scan3A_65 = arith.constant 1 : i32
    scf.for %scan3A_86 = %scan3A_62 to %scan3A_64 step %scan3A_65  : i32 {
      %dma_wait3A_87 = arith.constant 0 : i32
      %dma_wait3A_88 = arith.constant 0 : i32
      %dma_wait3A_89 = arith.constant 0 : i32
      %dma_wait3A_90 = arith.constant 0 : i32
      %dma_wait3A_91 = arith.constant 0 : i32
      %dma_wait3A_92 = tpu.memref_slice %arg6[%dma_wait3A_88, %dma_wait3A_90, %dma_wait3A_91] : memref<4x256x64xf32, #tpu.memory_space<vmem>> -> memref<1x256x64xf32, #tpu.memory_space<vmem>>
      %dma_wait3A_93 = tpu.memref_squeeze %dma_wait3A_92 : memref<1x256x64xf32, #tpu.memory_space<vmem>> -> memref<256x64xf32, #tpu.memory_space<vmem>>
      %dma_wait3A_94 = arith.constant 0 : i32
      %dma_wait3A_95 = tpu.memref_slice %arg5[%dma_wait3A_87, %dma_wait3A_94] : memref<100x256xi32, #tpu.memory_space<vmem>> -> memref<1x256xi32, #tpu.memory_space<vmem>>
      %dma_wait3A_96 = tpu.memref_squeeze %dma_wait3A_95 : memref<1x256xi32, #tpu.memory_space<vmem>> -> memref<256xi32, #tpu.memory_space<vmem>>
      %dma_wait3A_97 = arith.constant 0 : i32
      %dma_wait3A_98 = arith.constant 0 : i32
      %dma_wait3A_99 = tpu.memref_slice %arg3[%dma_wait3A_97, %dma_wait3A_98] : memref<1000000x64xf32, #tpu.memory_space<hbm>> -> memref<1000000x64xf32, #tpu.memory_space<hbm>>
      %dma_wait3A_100 = tpu.memref_slice %arg8[%dma_wait3A_89] : memref<4x!tpu.dma_semaphore, #tpu.memory_space<semaphore_mem>> -> memref<1x!tpu.dma_semaphore, #tpu.memory_space<semaphore_mem>>
      %dma_wait3A_101 = tpu.memref_squeeze %dma_wait3A_100 : memref<1x!tpu.dma_semaphore, #tpu.memory_space<semaphore_mem>> -> memref<!tpu.dma_semaphore, #tpu.memory_space<semaphore_mem>>
      tpu.wait_indirect_dma semaphore(%dma_wait3A_101 : memref<!tpu.dma_semaphore, #tpu.memory_space<semaphore_mem>>) src(%dma_wait3A_99 : memref<1000000x64xf32, #tpu.memory_space<hbm>>) dst(%dma_wait3A_93 : memref<256x64xf32, #tpu.memory_space<vmem>>)
      %gt3A = arith.constant 0 : i32
      %gt3A_102 = arith.cmpi sgt, %scan3A_86, %gt3A : i32
      %convert_element_type3A = arith.extui %gt3A_102 : i1 to i32
      %cond3A = arith.constant 0 : i32
      %cond3A_103 = arith.cmpi ne, %convert_element_type3A, %cond3A : i32
      scf.if %cond3A_103 {
        %dma_wait3A_268 = arith.constant 0 : i32
        %dma_wait3A_269 = arith.constant 0 : i32
        %dma_wait3A_270 = tpu.memref_slice %arg9[%dma_wait3A_269] : memref<2x!tpu.dma_semaphore, #tpu.memory_space<semaphore_mem>> -> memref<1x!tpu.dma_semaphore, #tpu.memory_space<semaphore_mem>>
        %dma_wait3A_271 = tpu.memref_squeeze %dma_wait3A_270 : memref<1x!tpu.dma_semaphore, #tpu.memory_space<semaphore_mem>> -> memref<!tpu.dma_semaphore, #tpu.memory_space<semaphore_mem>>
        %dma_wait3A_272 = arith.constant 0 : i32
        %dma_wait3A_273 = tpu.memref_slice %arg4[%mul3A_2, %dma_wait3A_272] : memref<819200x64xf32, #tpu.memory_space<hbm>> -> memref<256x64xf32, #tpu.memory_space<hbm>>
        %dma_wait3A_274 = arith.constant 0 : i32
        %dma_wait3A_275 = arith.constant 0 : i32
        %dma_wait3A_276 = tpu.memref_slice %arg7[%arg1, %dma_wait3A_268, %dma_wait3A_274, %dma_wait3A_275] : memref<16x2x256x64xf32, #tpu.memory_space<vmem_shared>> -> memref<1x1x256x64xf32, #tpu.memory_space<vmem_shared>>
        %dma_wait3A_277 = tpu.memref_squeeze %dma_wait3A_276 : memref<1x1x256x64xf32, #tpu.memory_space<vmem_shared>> -> memref<256x64xf32, #tpu.memory_space<vmem_shared>>
        tpu.wait_dma2 semaphore(%dma_wait3A_271 : memref<!tpu.dma_semaphore, #tpu.memory_space<semaphore_mem>>) src(%dma_wait3A_277 : memref<256x64xf32, #tpu.memory_space<vmem_shared>>) dst(%dma_wait3A_273 : memref<256x64xf32, #tpu.memory_space<hbm>>)
      } else {
      }
      %run_scoped3A = arith.constant 0 : i32
      %run_scoped3A_104 = arith.constant 0 : i32
      "tpu.region"() ({
        %run_scoped3A_268 = tpu.sem_alloc : memref<!tpu.dma_semaphore, #tpu.memory_space<semaphore_mem>>
        %dma_start3A_269 = arith.constant 0 : i32
        %dma_start3A_270 = arith.constant 0 : i32
        %dma_start3A_271 = tpu.memref_slice %arg6[%run_scoped3A, %dma_start3A_269, %dma_start3A_270] : memref<4x256x64xf32, #tpu.memory_space<vmem>> -> memref<1x256x64xf32, #tpu.memory_space<vmem>>
        %dma_start3A_272 = tpu.memref_squeeze %dma_start3A_271 : memref<1x256x64xf32, #tpu.memory_space<vmem>> -> memref<256x64xf32, #tpu.memory_space<vmem>>
        %dma_start3A_273 = arith.constant 0 : i32
        %dma_start3A_274 = arith.constant 0 : i32
        %dma_start3A_275 = tpu.memref_slice %arg7[%arg1, %run_scoped3A_104, %dma_start3A_273, %dma_start3A_274] : memref<16x2x256x64xf32, #tpu.memory_space<vmem_shared>> -> memref<1x1x256x64xf32, #tpu.memory_space<vmem_shared>>
        %dma_start3A_276 = tpu.memref_squeeze %dma_start3A_275 : memref<1x1x256x64xf32, #tpu.memory_space<vmem_shared>> -> memref<256x64xf32, #tpu.memory_space<vmem_shared>>
        %dma_start3A_277 = arith.constant 0 : i32
        %dma_start3A_278 = arith.constant 0 : i32
        %dma_start3A_279 = tpu.memref_slice %arg7[%arg1, %run_scoped3A_104, %dma_start3A_277, %dma_start3A_278] : memref<16x2x256x64xf32, #tpu.memory_space<vmem_shared>> -> memref<1x1x256x64xf32, #tpu.memory_space<vmem_shared>>
        %dma_start3A_280 = tpu.memref_squeeze %dma_start3A_279 : memref<1x1x256x64xf32, #tpu.memory_space<vmem_shared>> -> memref<256x64xf32, #tpu.memory_space<vmem_shared>>
        %dma_start3A_281 = arith.constant 0 : i32
        %dma_start3A_282 = arith.constant 0 : i32
        %dma_start3A_283 = tpu.memref_slice %arg6[%run_scoped3A, %dma_start3A_281, %dma_start3A_282] : memref<4x256x64xf32, #tpu.memory_space<vmem>> -> memref<1x256x64xf32, #tpu.memory_space<vmem>>
        %dma_start3A_284 = tpu.memref_squeeze %dma_start3A_283 : memref<1x256x64xf32, #tpu.memory_space<vmem>> -> memref<256x64xf32, #tpu.memory_space<vmem>>
        tpu.enqueue_dma source(%dma_start3A_284 : memref<256x64xf32, #tpu.memory_space<vmem>>) target(%dma_start3A_280 : memref<256x64xf32, #tpu.memory_space<vmem_shared>>) target_semaphore(%run_scoped3A_268 : memref<!tpu.dma_semaphore, #tpu.memory_space<semaphore_mem>>)
        %dma_wait3A_285 = arith.constant 0 : i32
        %dma_wait3A_286 = arith.constant 0 : i32
        %dma_wait3A_287 = tpu.memref_slice %arg6[%run_scoped3A, %dma_wait3A_285, %dma_wait3A_286] : memref<4x256x64xf32, #tpu.memory_space<vmem>> -> memref<1x256x64xf32, #tpu.memory_space<vmem>>
        %dma_wait3A_288 = tpu.memref_squeeze %dma_wait3A_287 : memref<1x256x64xf32, #tpu.memory_space<vmem>> -> memref<256x64xf32, #tpu.memory_space<vmem>>
        %dma_wait3A_289 = arith.constant 0 : i32
        %dma_wait3A_290 = arith.constant 0 : i32
        %dma_wait3A_291 = tpu.memref_slice %arg7[%arg1, %run_scoped3A_104, %dma_wait3A_289, %dma_wait3A_290] : memref<16x2x256x64xf32, #tpu.memory_space<vmem_shared>> -> memref<1x1x256x64xf32, #tpu.memory_space<vmem_shared>>
        %dma_wait3A_292 = tpu.memref_squeeze %dma_wait3A_291 : memref<1x1x256x64xf32, #tpu.memory_space<vmem_shared>> -> memref<256x64xf32, #tpu.memory_space<vmem_shared>>
        %dma_wait3A_293 = arith.constant 0 : i32
        %dma_wait3A_294 = arith.constant 0 : i32
        %dma_wait3A_295 = tpu.memref_slice %arg7[%arg1, %run_scoped3A_104, %dma_wait3A_293, %dma_wait3A_294] : memref<16x2x256x64xf32, #tpu.memory_space<vmem_shared>> -> memref<1x1x256x64xf32, #tpu.memory_space<vmem_shared>>
        %dma_wait3A_296 = tpu.memref_squeeze %dma_wait3A_295 : memref<1x1x256x64xf32, #tpu.memory_space<vmem_shared>> -> memref<256x64xf32, #tpu.memory_space<vmem_shared>>
        %dma_wait3A_297 = arith.constant 0 : i32
        %dma_wait3A_298 = arith.constant 0 : i32
        %dma_wait3A_299 = tpu.memref_slice %arg6[%run_scoped3A, %dma_wait3A_297, %dma_wait3A_298] : memref<4x256x64xf32, #tpu.memory_space<vmem>> -> memref<1x256x64xf32, #tpu.memory_space<vmem>>
        %dma_wait3A_300 = tpu.memref_squeeze %dma_wait3A_299 : memref<1x256x64xf32, #tpu.memory_space<vmem>> -> memref<256x64xf32, #tpu.memory_space<vmem>>
        tpu.wait_dma2 semaphore(%run_scoped3A_268 : memref<!tpu.dma_semaphore, #tpu.memory_space<semaphore_mem>>) src(%dma_wait3A_300 : memref<256x64xf32, #tpu.memory_space<vmem>>) dst(%dma_wait3A_296 : memref<256x64xf32, #tpu.memory_space<vmem_shared>>)
        tpu.yield
      }) : () -> ()
      %mul3A_105 = arith.constant 4 : i32
      %mul3A_106 = arith.muli %scan3A_86, %mul3A_105 : i32
      %add3A_107 = arith.constant 0 : i32
      %add3A_108 = arith.addi %mul3A_106, %add3A_107 : i32
      %mul3A_109 = arith.constant 256 : i32
      %mul3A_110 = arith.muli %add3A_108, %mul3A_109 : i32
      %add3A_111 = arith.addi %mul3A_2, %mul3A_110 : i32
      %dma_start3A_112 = arith.constant 0 : i32
      %dma_start3A_113 = arith.constant 0 : i32
      %dma_start3A_114 = tpu.memref_slice %arg9[%dma_start3A_113] : memref<2x!tpu.dma_semaphore, #tpu.memory_space<semaphore_mem>> -> memref<1x!tpu.dma_semaphore, #tpu.memory_space<semaphore_mem>>
      %dma_start3A_115 = tpu.memref_squeeze %dma_start3A_114 : memref<1x!tpu.dma_semaphore, #tpu.memory_space<semaphore_mem>> -> memref<!tpu.dma_semaphore, #tpu.memory_space<semaphore_mem>>
      %dma_start3A_116 = arith.constant 0 : i32
      %dma_start3A_117 = tpu.memref_slice %arg4[%add3A_111, %dma_start3A_116] : memref<819200x64xf32, #tpu.memory_space<hbm>> -> memref<256x64xf32, #tpu.memory_space<hbm>>
      %dma_start3A_118 = arith.constant 0 : i32
      %dma_start3A_119 = arith.constant 0 : i32
      %dma_start3A_120 = tpu.memref_slice %arg7[%arg1, %dma_start3A_112, %dma_start3A_118, %dma_start3A_119] : memref<16x2x256x64xf32, #tpu.memory_space<vmem_shared>> -> memref<1x1x256x64xf32, #tpu.memory_space<vmem_shared>>
      %dma_start3A_121 = tpu.memref_squeeze %dma_start3A_120 : memref<1x1x256x64xf32, #tpu.memory_space<vmem_shared>> -> memref<256x64xf32, #tpu.memory_space<vmem_shared>>
      tpu.enqueue_dma source(%dma_start3A_121 : memref<256x64xf32, #tpu.memory_space<vmem_shared>>) target(%dma_start3A_117 : memref<256x64xf32, #tpu.memory_space<hbm>>) target_semaphore(%dma_start3A_115 : memref<!tpu.dma_semaphore, #tpu.memory_space<semaphore_mem>>)
      %lt3A = arith.constant 24 : i32
      %lt3A_122 = arith.cmpi slt, %scan3A_86, %lt3A : i32
      %convert_element_type3A_123 = arith.extui %lt3A_122 : i1 to i32
      %cond3A_124 = arith.constant 0 : i32
      %cond3A_125 = arith.cmpi ne, %convert_element_type3A_123, %cond3A_124 : i32
      scf.if %cond3A_125 {
        %add3A_268 = arith.constant 1 : i32
        %add3A_269 = arith.addi %scan3A_86, %add3A_268 : i32
        %mul3A_270 = arith.constant 4 : i32
        %mul3A_271 = arith.muli %add3A_269, %mul3A_270 : i32
        %add3A_272 = arith.constant 0 : i32
        %add3A_273 = arith.addi %mul3A_271, %add3A_272 : i32
        %dma_start3A_274 = arith.constant 0 : i32
        %dma_start3A_275 = arith.constant 0 : i32
        %dma_start3A_276 = arith.constant 0 : i32
        %dma_start3A_277 = arith.constant 0 : i32
        %dma_start3A_278 = tpu.memref_slice %arg6[%dma_start3A_274, %dma_start3A_276, %dma_start3A_277] : memref<4x256x64xf32, #tpu.memory_space<vmem>> -> memref<1x256x64xf32, #tpu.memory_space<vmem>>
        %dma_start3A_279 = tpu.memref_squeeze %dma_start3A_278 : memref<1x256x64xf32, #tpu.memory_space<vmem>> -> memref<256x64xf32, #tpu.memory_space<vmem>>
        %dma_start3A_280 = arith.constant 0 : i32
        %dma_start3A_281 = tpu.memref_slice %arg5[%add3A_273, %dma_start3A_280] : memref<100x256xi32, #tpu.memory_space<vmem>> -> memref<1x256xi32, #tpu.memory_space<vmem>>
        %dma_start3A_282 = tpu.memref_squeeze %dma_start3A_281 : memref<1x256xi32, #tpu.memory_space<vmem>> -> memref<256xi32, #tpu.memory_space<vmem>>
        %dma_start3A_283 = arith.constant 0 : i32
        %dma_start3A_284 = arith.constant 0 : i32
        %dma_start3A_285 = tpu.memref_slice %arg3[%dma_start3A_283, %dma_start3A_284] : memref<1000000x64xf32, #tpu.memory_space<hbm>> -> memref<1000000x64xf32, #tpu.memory_space<hbm>>
        %dma_start3A_286 = tpu.memref_slice %arg8[%dma_start3A_275] : memref<4x!tpu.dma_semaphore, #tpu.memory_space<semaphore_mem>> -> memref<1x!tpu.dma_semaphore, #tpu.memory_space<semaphore_mem>>
        %dma_start3A_287 = tpu.memref_squeeze %dma_start3A_286 : memref<1x!tpu.dma_semaphore, #tpu.memory_space<semaphore_mem>> -> memref<!tpu.dma_semaphore, #tpu.memory_space<semaphore_mem>>
        tpu.enqueue_indirect_dma source(%dma_start3A_285 : memref<1000000x64xf32, #tpu.memory_space<hbm>>) target(%dma_start3A_279 : memref<256x64xf32, #tpu.memory_space<vmem>>) offsets(%dma_start3A_282 : memref<256xi32, #tpu.memory_space<vmem>>) semaphore(%dma_start3A_287 : memref<!tpu.dma_semaphore, #tpu.memory_space<semaphore_mem>>)
      } else {
      }
      %dma_wait3A_126 = arith.constant 0 : i32
      %dma_wait3A_127 = arith.constant 1 : i32
      %dma_wait3A_128 = arith.constant 1 : i32
      %dma_wait3A_129 = arith.constant 0 : i32
      %dma_wait3A_130 = arith.constant 0 : i32
      %dma_wait3A_131 = tpu.memref_slice %arg6[%dma_wait3A_127, %dma_wait3A_129, %dma_wait3A_130] : memref<4x256x64xf32, #tpu.memory_space<vmem>> -> memref<1x256x64xf32, #tpu.memory_space<vmem>>
      %dma_wait3A_132 = tpu.memref_squeeze %dma_wait3A_131 : memref<1x256x64xf32, #tpu.memory_space<vmem>> -> memref<256x64xf32, #tpu.memory_space<vmem>>
      %dma_wait3A_133 = arith.constant 0 : i32
      %dma_wait3A_134 = tpu.memref_slice %arg5[%dma_wait3A_126, %dma_wait3A_133] : memref<100x256xi32, #tpu.memory_space<vmem>> -> memref<1x256xi32, #tpu.memory_space<vmem>>
      %dma_wait3A_135 = tpu.memref_squeeze %dma_wait3A_134 : memref<1x256xi32, #tpu.memory_space<vmem>> -> memref<256xi32, #tpu.memory_space<vmem>>
      %dma_wait3A_136 = arith.constant 0 : i32
      %dma_wait3A_137 = arith.constant 0 : i32
      %dma_wait3A_138 = tpu.memref_slice %arg3[%dma_wait3A_136, %dma_wait3A_137] : memref<1000000x64xf32, #tpu.memory_space<hbm>> -> memref<1000000x64xf32, #tpu.memory_space<hbm>>
      %dma_wait3A_139 = tpu.memref_slice %arg8[%dma_wait3A_128] : memref<4x!tpu.dma_semaphore, #tpu.memory_space<semaphore_mem>> -> memref<1x!tpu.dma_semaphore, #tpu.memory_space<semaphore_mem>>
      %dma_wait3A_140 = tpu.memref_squeeze %dma_wait3A_139 : memref<1x!tpu.dma_semaphore, #tpu.memory_space<semaphore_mem>> -> memref<!tpu.dma_semaphore, #tpu.memory_space<semaphore_mem>>
      tpu.wait_indirect_dma semaphore(%dma_wait3A_140 : memref<!tpu.dma_semaphore, #tpu.memory_space<semaphore_mem>>) src(%dma_wait3A_138 : memref<1000000x64xf32, #tpu.memory_space<hbm>>) dst(%dma_wait3A_132 : memref<256x64xf32, #tpu.memory_space<vmem>>)
      %gt3A_141 = arith.constant 0 : i32
      %gt3A_142 = arith.cmpi sgt, %scan3A_86, %gt3A_141 : i32
      %convert_element_type3A_143 = arith.extui %gt3A_142 : i1 to i32
      %cond3A_144 = arith.constant 0 : i32
      %cond3A_145 = arith.cmpi ne, %convert_element_type3A_143, %cond3A_144 : i32
      scf.if %cond3A_145 {
        %dma_wait3A_268 = arith.constant 1 : i32
        %dma_wait3A_269 = arith.constant 1 : i32
        %dma_wait3A_270 = tpu.memref_slice %arg9[%dma_wait3A_269] : memref<2x!tpu.dma_semaphore, #tpu.memory_space<semaphore_mem>> -> memref<1x!tpu.dma_semaphore, #tpu.memory_space<semaphore_mem>>
        %dma_wait3A_271 = tpu.memref_squeeze %dma_wait3A_270 : memref<1x!tpu.dma_semaphore, #tpu.memory_space<semaphore_mem>> -> memref<!tpu.dma_semaphore, #tpu.memory_space<semaphore_mem>>
        %dma_wait3A_272 = arith.constant 0 : i32
        %dma_wait3A_273 = tpu.memref_slice %arg4[%mul3A_2, %dma_wait3A_272] : memref<819200x64xf32, #tpu.memory_space<hbm>> -> memref<256x64xf32, #tpu.memory_space<hbm>>
        %dma_wait3A_274 = arith.constant 0 : i32
        %dma_wait3A_275 = arith.constant 0 : i32
        %dma_wait3A_276 = tpu.memref_slice %arg7[%arg1, %dma_wait3A_268, %dma_wait3A_274, %dma_wait3A_275] : memref<16x2x256x64xf32, #tpu.memory_space<vmem_shared>> -> memref<1x1x256x64xf32, #tpu.memory_space<vmem_shared>>
        %dma_wait3A_277 = tpu.memref_squeeze %dma_wait3A_276 : memref<1x1x256x64xf32, #tpu.memory_space<vmem_shared>> -> memref<256x64xf32, #tpu.memory_space<vmem_shared>>
        tpu.wait_dma2 semaphore(%dma_wait3A_271 : memref<!tpu.dma_semaphore, #tpu.memory_space<semaphore_mem>>) src(%dma_wait3A_277 : memref<256x64xf32, #tpu.memory_space<vmem_shared>>) dst(%dma_wait3A_273 : memref<256x64xf32, #tpu.memory_space<hbm>>)
      } else {
      }
      %run_scoped3A_146 = arith.constant 1 : i32
      %run_scoped3A_147 = arith.constant 1 : i32
      "tpu.region"() ({
        %run_scoped3A_268 = tpu.sem_alloc : memref<!tpu.dma_semaphore, #tpu.memory_space<semaphore_mem>>
        %dma_start3A_269 = arith.constant 0 : i32
        %dma_start3A_270 = arith.constant 0 : i32
        %dma_start3A_271 = tpu.memref_slice %arg6[%run_scoped3A_146, %dma_start3A_269, %dma_start3A_270] : memref<4x256x64xf32, #tpu.memory_space<vmem>> -> memref<1x256x64xf32, #tpu.memory_space<vmem>>
        %dma_start3A_272 = tpu.memref_squeeze %dma_start3A_271 : memref<1x256x64xf32, #tpu.memory_space<vmem>> -> memref<256x64xf32, #tpu.memory_space<vmem>>
        %dma_start3A_273 = arith.constant 0 : i32
        %dma_start3A_274 = arith.constant 0 : i32
        %dma_start3A_275 = tpu.memref_slice %arg7[%arg1, %run_scoped3A_147, %dma_start3A_273, %dma_start3A_274] : memref<16x2x256x64xf32, #tpu.memory_space<vmem_shared>> -> memref<1x1x256x64xf32, #tpu.memory_space<vmem_shared>>
        %dma_start3A_276 = tpu.memref_squeeze %dma_start3A_275 : memref<1x1x256x64xf32, #tpu.memory_space<vmem_shared>> -> memref<256x64xf32, #tpu.memory_space<vmem_shared>>
        %dma_start3A_277 = arith.constant 0 : i32
        %dma_start3A_278 = arith.constant 0 : i32
        %dma_start3A_279 = tpu.memref_slice %arg7[%arg1, %run_scoped3A_147, %dma_start3A_277, %dma_start3A_278] : memref<16x2x256x64xf32, #tpu.memory_space<vmem_shared>> -> memref<1x1x256x64xf32, #tpu.memory_space<vmem_shared>>
        %dma_start3A_280 = tpu.memref_squeeze %dma_start3A_279 : memref<1x1x256x64xf32, #tpu.memory_space<vmem_shared>> -> memref<256x64xf32, #tpu.memory_space<vmem_shared>>
        %dma_start3A_281 = arith.constant 0 : i32
        %dma_start3A_282 = arith.constant 0 : i32
        %dma_start3A_283 = tpu.memref_slice %arg6[%run_scoped3A_146, %dma_start3A_281, %dma_start3A_282] : memref<4x256x64xf32, #tpu.memory_space<vmem>> -> memref<1x256x64xf32, #tpu.memory_space<vmem>>
        %dma_start3A_284 = tpu.memref_squeeze %dma_start3A_283 : memref<1x256x64xf32, #tpu.memory_space<vmem>> -> memref<256x64xf32, #tpu.memory_space<vmem>>
        tpu.enqueue_dma source(%dma_start3A_284 : memref<256x64xf32, #tpu.memory_space<vmem>>) target(%dma_start3A_280 : memref<256x64xf32, #tpu.memory_space<vmem_shared>>) target_semaphore(%run_scoped3A_268 : memref<!tpu.dma_semaphore, #tpu.memory_space<semaphore_mem>>)
        %dma_wait3A_285 = arith.constant 0 : i32
        %dma_wait3A_286 = arith.constant 0 : i32
        %dma_wait3A_287 = tpu.memref_slice %arg6[%run_scoped3A_146, %dma_wait3A_285, %dma_wait3A_286] : memref<4x256x64xf32, #tpu.memory_space<vmem>> -> memref<1x256x64xf32, #tpu.memory_space<vmem>>
        %dma_wait3A_288 = tpu.memref_squeeze %dma_wait3A_287 : memref<1x256x64xf32, #tpu.memory_space<vmem>> -> memref<256x64xf32, #tpu.memory_space<vmem>>
        %dma_wait3A_289 = arith.constant 0 : i32
        %dma_wait3A_290 = arith.constant 0 : i32
        %dma_wait3A_291 = tpu.memref_slice %arg7[%arg1, %run_scoped3A_147, %dma_wait3A_289, %dma_wait3A_290] : memref<16x2x256x64xf32, #tpu.memory_space<vmem_shared>> -> memref<1x1x256x64xf32, #tpu.memory_space<vmem_shared>>
        %dma_wait3A_292 = tpu.memref_squeeze %dma_wait3A_291 : memref<1x1x256x64xf32, #tpu.memory_space<vmem_shared>> -> memref<256x64xf32, #tpu.memory_space<vmem_shared>>
        %dma_wait3A_293 = arith.constant 0 : i32
        %dma_wait3A_294 = arith.constant 0 : i32
        %dma_wait3A_295 = tpu.memref_slice %arg7[%arg1, %run_scoped3A_147, %dma_wait3A_293, %dma_wait3A_294] : memref<16x2x256x64xf32, #tpu.memory_space<vmem_shared>> -> memref<1x1x256x64xf32, #tpu.memory_space<vmem_shared>>
        %dma_wait3A_296 = tpu.memref_squeeze %dma_wait3A_295 : memref<1x1x256x64xf32, #tpu.memory_space<vmem_shared>> -> memref<256x64xf32, #tpu.memory_space<vmem_shared>>
        %dma_wait3A_297 = arith.constant 0 : i32
        %dma_wait3A_298 = arith.constant 0 : i32
        %dma_wait3A_299 = tpu.memref_slice %arg6[%run_scoped3A_146, %dma_wait3A_297, %dma_wait3A_298] : memref<4x256x64xf32, #tpu.memory_space<vmem>> -> memref<1x256x64xf32, #tpu.memory_space<vmem>>
        %dma_wait3A_300 = tpu.memref_squeeze %dma_wait3A_299 : memref<1x256x64xf32, #tpu.memory_space<vmem>> -> memref<256x64xf32, #tpu.memory_space<vmem>>
        tpu.wait_dma2 semaphore(%run_scoped3A_268 : memref<!tpu.dma_semaphore, #tpu.memory_space<semaphore_mem>>) src(%dma_wait3A_300 : memref<256x64xf32, #tpu.memory_space<vmem>>) dst(%dma_wait3A_296 : memref<256x64xf32, #tpu.memory_space<vmem_shared>>)
        tpu.yield
      }) : () -> ()
      %mul3A_148 = arith.constant 4 : i32
      %mul3A_149 = arith.muli %scan3A_86, %mul3A_148 : i32
      %add3A_150 = arith.constant 1 : i32
      %add3A_151 = arith.addi %mul3A_149, %add3A_150 : i32
      %mul3A_152 = arith.constant 256 : i32
      %mul3A_153 = arith.muli %add3A_151, %mul3A_152 : i32
      %add3A_154 = arith.addi %mul3A_2, %mul3A_153 : i32
      %dma_start3A_155 = arith.constant 1 : i32
      %dma_start3A_156 = arith.constant 1 : i32
      %dma_start3A_157 = tpu.memref_slice %arg9[%dma_start3A_156] : memref<2x!tpu.dma_semaphore, #tpu.memory_space<semaphore_mem>> -> memref<1x!tpu.dma_semaphore, #tpu.memory_space<semaphore_mem>>
      %dma_start3A_158 = tpu.memref_squeeze %dma_start3A_157 : memref<1x!tpu.dma_semaphore, #tpu.memory_space<semaphore_mem>> -> memref<!tpu.dma_semaphore, #tpu.memory_space<semaphore_mem>>
      %dma_start3A_159 = arith.constant 0 : i32
      %dma_start3A_160 = tpu.memref_slice %arg4[%add3A_154, %dma_start3A_159] : memref<819200x64xf32, #tpu.memory_space<hbm>> -> memref<256x64xf32, #tpu.memory_space<hbm>>
      %dma_start3A_161 = arith.constant 0 : i32
      %dma_start3A_162 = arith.constant 0 : i32
      %dma_start3A_163 = tpu.memref_slice %arg7[%arg1, %dma_start3A_155, %dma_start3A_161, %dma_start3A_162] : memref<16x2x256x64xf32, #tpu.memory_space<vmem_shared>> -> memref<1x1x256x64xf32, #tpu.memory_space<vmem_shared>>
      %dma_start3A_164 = tpu.memref_squeeze %dma_start3A_163 : memref<1x1x256x64xf32, #tpu.memory_space<vmem_shared>> -> memref<256x64xf32, #tpu.memory_space<vmem_shared>>
      tpu.enqueue_dma source(%dma_start3A_164 : memref<256x64xf32, #tpu.memory_space<vmem_shared>>) target(%dma_start3A_160 : memref<256x64xf32, #tpu.memory_space<hbm>>) target_semaphore(%dma_start3A_158 : memref<!tpu.dma_semaphore, #tpu.memory_space<semaphore_mem>>)
      %lt3A_165 = arith.constant 24 : i32
      %lt3A_166 = arith.cmpi slt, %scan3A_86, %lt3A_165 : i32
      %convert_element_type3A_167 = arith.extui %lt3A_166 : i1 to i32
      %cond3A_168 = arith.constant 0 : i32
      %cond3A_169 = arith.cmpi ne, %convert_element_type3A_167, %cond3A_168 : i32
      scf.if %cond3A_169 {
        %add3A_268 = arith.constant 1 : i32
        %add3A_269 = arith.addi %scan3A_86, %add3A_268 : i32
        %mul3A_270 = arith.constant 4 : i32
        %mul3A_271 = arith.muli %add3A_269, %mul3A_270 : i32
        %add3A_272 = arith.constant 1 : i32
        %add3A_273 = arith.addi %mul3A_271, %add3A_272 : i32
        %dma_start3A_274 = arith.constant 1 : i32
        %dma_start3A_275 = arith.constant 1 : i32
        %dma_start3A_276 = arith.constant 0 : i32
        %dma_start3A_277 = arith.constant 0 : i32
        %dma_start3A_278 = tpu.memref_slice %arg6[%dma_start3A_274, %dma_start3A_276, %dma_start3A_277] : memref<4x256x64xf32, #tpu.memory_space<vmem>> -> memref<1x256x64xf32, #tpu.memory_space<vmem>>
        %dma_start3A_279 = tpu.memref_squeeze %dma_start3A_278 : memref<1x256x64xf32, #tpu.memory_space<vmem>> -> memref<256x64xf32, #tpu.memory_space<vmem>>
        %dma_start3A_280 = arith.constant 0 : i32
        %dma_start3A_281 = tpu.memref_slice %arg5[%add3A_273, %dma_start3A_280] : memref<100x256xi32, #tpu.memory_space<vmem>> -> memref<1x256xi32, #tpu.memory_space<vmem>>
        %dma_start3A_282 = tpu.memref_squeeze %dma_start3A_281 : memref<1x256xi32, #tpu.memory_space<vmem>> -> memref<256xi32, #tpu.memory_space<vmem>>
        %dma_start3A_283 = arith.constant 0 : i32
        %dma_start3A_284 = arith.constant 0 : i32
        %dma_start3A_285 = tpu.memref_slice %arg3[%dma_start3A_283, %dma_start3A_284] : memref<1000000x64xf32, #tpu.memory_space<hbm>> -> memref<1000000x64xf32, #tpu.memory_space<hbm>>
        %dma_start3A_286 = tpu.memref_slice %arg8[%dma_start3A_275] : memref<4x!tpu.dma_semaphore, #tpu.memory_space<semaphore_mem>> -> memref<1x!tpu.dma_semaphore, #tpu.memory_space<semaphore_mem>>
        %dma_start3A_287 = tpu.memref_squeeze %dma_start3A_286 : memref<1x!tpu.dma_semaphore, #tpu.memory_space<semaphore_mem>> -> memref<!tpu.dma_semaphore, #tpu.memory_space<semaphore_mem>>
        tpu.enqueue_indirect_dma source(%dma_start3A_285 : memref<1000000x64xf32, #tpu.memory_space<hbm>>) target(%dma_start3A_279 : memref<256x64xf32, #tpu.memory_space<vmem>>) offsets(%dma_start3A_282 : memref<256xi32, #tpu.memory_space<vmem>>) semaphore(%dma_start3A_287 : memref<!tpu.dma_semaphore, #tpu.memory_space<semaphore_mem>>)
      } else {
      }
      %dma_wait3A_170 = arith.constant 0 : i32
      %dma_wait3A_171 = arith.constant 2 : i32
      %dma_wait3A_172 = arith.constant 2 : i32
      %dma_wait3A_173 = arith.constant 0 : i32
      %dma_wait3A_174 = arith.constant 0 : i32
      %dma_wait3A_175 = tpu.memref_slice %arg6[%dma_wait3A_171, %dma_wait3A_173, %dma_wait3A_174] : memref<4x256x64xf32, #tpu.memory_space<vmem>> -> memref<1x256x64xf32, #tpu.memory_space<vmem>>
      %dma_wait3A_176 = tpu.memref_squeeze %dma_wait3A_175 : memref<1x256x64xf32, #tpu.memory_space<vmem>> -> memref<256x64xf32, #tpu.memory_space<vmem>>
      %dma_wait3A_177 = arith.constant 0 : i32
      %dma_wait3A_178 = tpu.memref_slice %arg5[%dma_wait3A_170, %dma_wait3A_177] : memref<100x256xi32, #tpu.memory_space<vmem>> -> memref<1x256xi32, #tpu.memory_space<vmem>>
      %dma_wait3A_179 = tpu.memref_squeeze %dma_wait3A_178 : memref<1x256xi32, #tpu.memory_space<vmem>> -> memref<256xi32, #tpu.memory_space<vmem>>
      %dma_wait3A_180 = arith.constant 0 : i32
      %dma_wait3A_181 = arith.constant 0 : i32
      %dma_wait3A_182 = tpu.memref_slice %arg3[%dma_wait3A_180, %dma_wait3A_181] : memref<1000000x64xf32, #tpu.memory_space<hbm>> -> memref<1000000x64xf32, #tpu.memory_space<hbm>>
      %dma_wait3A_183 = tpu.memref_slice %arg8[%dma_wait3A_172] : memref<4x!tpu.dma_semaphore, #tpu.memory_space<semaphore_mem>> -> memref<1x!tpu.dma_semaphore, #tpu.memory_space<semaphore_mem>>
      %dma_wait3A_184 = tpu.memref_squeeze %dma_wait3A_183 : memref<1x!tpu.dma_semaphore, #tpu.memory_space<semaphore_mem>> -> memref<!tpu.dma_semaphore, #tpu.memory_space<semaphore_mem>>
      tpu.wait_indirect_dma semaphore(%dma_wait3A_184 : memref<!tpu.dma_semaphore, #tpu.memory_space<semaphore_mem>>) src(%dma_wait3A_182 : memref<1000000x64xf32, #tpu.memory_space<hbm>>) dst(%dma_wait3A_176 : memref<256x64xf32, #tpu.memory_space<vmem>>)
      %dma_wait3A_185 = arith.constant 0 : i32
      %dma_wait3A_186 = arith.constant 0 : i32
      %dma_wait3A_187 = tpu.memref_slice %arg9[%dma_wait3A_186] : memref<2x!tpu.dma_semaphore, #tpu.memory_space<semaphore_mem>> -> memref<1x!tpu.dma_semaphore, #tpu.memory_space<semaphore_mem>>
      %dma_wait3A_188 = tpu.memref_squeeze %dma_wait3A_187 : memref<1x!tpu.dma_semaphore, #tpu.memory_space<semaphore_mem>> -> memref<!tpu.dma_semaphore, #tpu.memory_space<semaphore_mem>>
      %dma_wait3A_189 = arith.constant 0 : i32
      %dma_wait3A_190 = tpu.memref_slice %arg4[%mul3A_2, %dma_wait3A_189] : memref<819200x64xf32, #tpu.memory_space<hbm>> -> memref<256x64xf32, #tpu.memory_space<hbm>>
      %dma_wait3A_191 = arith.constant 0 : i32
      %dma_wait3A_192 = arith.constant 0 : i32
      %dma_wait3A_193 = tpu.memref_slice %arg7[%arg1, %dma_wait3A_185, %dma_wait3A_191, %dma_wait3A_192] : memref<16x2x256x64xf32, #tpu.memory_space<vmem_shared>> -> memref<1x1x256x64xf32, #tpu.memory_space<vmem_shared>>
      %dma_wait3A_194 = tpu.memref_squeeze %dma_wait3A_193 : memref<1x1x256x64xf32, #tpu.memory_space<vmem_shared>> -> memref<256x64xf32, #tpu.memory_space<vmem_shared>>
      tpu.wait_dma2 semaphore(%dma_wait3A_188 : memref<!tpu.dma_semaphore, #tpu.memory_space<semaphore_mem>>) src(%dma_wait3A_194 : memref<256x64xf32, #tpu.memory_space<vmem_shared>>) dst(%dma_wait3A_190 : memref<256x64xf32, #tpu.memory_space<hbm>>)
      %run_scoped3A_195 = arith.constant 2 : i32
      %run_scoped3A_196 = arith.constant 0 : i32
      "tpu.region"() ({
        %run_scoped3A_268 = tpu.sem_alloc : memref<!tpu.dma_semaphore, #tpu.memory_space<semaphore_mem>>
        %dma_start3A_269 = arith.constant 0 : i32
        %dma_start3A_270 = arith.constant 0 : i32
        %dma_start3A_271 = tpu.memref_slice %arg6[%run_scoped3A_195, %dma_start3A_269, %dma_start3A_270] : memref<4x256x64xf32, #tpu.memory_space<vmem>> -> memref<1x256x64xf32, #tpu.memory_space<vmem>>
        %dma_start3A_272 = tpu.memref_squeeze %dma_start3A_271 : memref<1x256x64xf32, #tpu.memory_space<vmem>> -> memref<256x64xf32, #tpu.memory_space<vmem>>
        %dma_start3A_273 = arith.constant 0 : i32
        %dma_start3A_274 = arith.constant 0 : i32
        %dma_start3A_275 = tpu.memref_slice %arg7[%arg1, %run_scoped3A_196, %dma_start3A_273, %dma_start3A_274] : memref<16x2x256x64xf32, #tpu.memory_space<vmem_shared>> -> memref<1x1x256x64xf32, #tpu.memory_space<vmem_shared>>
        %dma_start3A_276 = tpu.memref_squeeze %dma_start3A_275 : memref<1x1x256x64xf32, #tpu.memory_space<vmem_shared>> -> memref<256x64xf32, #tpu.memory_space<vmem_shared>>
        %dma_start3A_277 = arith.constant 0 : i32
        %dma_start3A_278 = arith.constant 0 : i32
        %dma_start3A_279 = tpu.memref_slice %arg7[%arg1, %run_scoped3A_196, %dma_start3A_277, %dma_start3A_278] : memref<16x2x256x64xf32, #tpu.memory_space<vmem_shared>> -> memref<1x1x256x64xf32, #tpu.memory_space<vmem_shared>>
        %dma_start3A_280 = tpu.memref_squeeze %dma_start3A_279 : memref<1x1x256x64xf32, #tpu.memory_space<vmem_shared>> -> memref<256x64xf32, #tpu.memory_space<vmem_shared>>
        %dma_start3A_281 = arith.constant 0 : i32
        %dma_start3A_282 = arith.constant 0 : i32
        %dma_start3A_283 = tpu.memref_slice %arg6[%run_scoped3A_195, %dma_start3A_281, %dma_start3A_282] : memref<4x256x64xf32, #tpu.memory_space<vmem>> -> memref<1x256x64xf32, #tpu.memory_space<vmem>>
        %dma_start3A_284 = tpu.memref_squeeze %dma_start3A_283 : memref<1x256x64xf32, #tpu.memory_space<vmem>> -> memref<256x64xf32, #tpu.memory_space<vmem>>
        tpu.enqueue_dma source(%dma_start3A_284 : memref<256x64xf32, #tpu.memory_space<vmem>>) target(%dma_start3A_280 : memref<256x64xf32, #tpu.memory_space<vmem_shared>>) target_semaphore(%run_scoped3A_268 : memref<!tpu.dma_semaphore, #tpu.memory_space<semaphore_mem>>)
        %dma_wait3A_285 = arith.constant 0 : i32
        %dma_wait3A_286 = arith.constant 0 : i32
        %dma_wait3A_287 = tpu.memref_slice %arg6[%run_scoped3A_195, %dma_wait3A_285, %dma_wait3A_286] : memref<4x256x64xf32, #tpu.memory_space<vmem>> -> memref<1x256x64xf32, #tpu.memory_space<vmem>>
        %dma_wait3A_288 = tpu.memref_squeeze %dma_wait3A_287 : memref<1x256x64xf32, #tpu.memory_space<vmem>> -> memref<256x64xf32, #tpu.memory_space<vmem>>
        %dma_wait3A_289 = arith.constant 0 : i32
        %dma_wait3A_290 = arith.constant 0 : i32
        %dma_wait3A_291 = tpu.memref_slice %arg7[%arg1, %run_scoped3A_196, %dma_wait3A_289, %dma_wait3A_290] : memref<16x2x256x64xf32, #tpu.memory_space<vmem_shared>> -> memref<1x1x256x64xf32, #tpu.memory_space<vmem_shared>>
        %dma_wait3A_292 = tpu.memref_squeeze %dma_wait3A_291 : memref<1x1x256x64xf32, #tpu.memory_space<vmem_shared>> -> memref<256x64xf32, #tpu.memory_space<vmem_shared>>
        %dma_wait3A_293 = arith.constant 0 : i32
        %dma_wait3A_294 = arith.constant 0 : i32
        %dma_wait3A_295 = tpu.memref_slice %arg7[%arg1, %run_scoped3A_196, %dma_wait3A_293, %dma_wait3A_294] : memref<16x2x256x64xf32, #tpu.memory_space<vmem_shared>> -> memref<1x1x256x64xf32, #tpu.memory_space<vmem_shared>>
        %dma_wait3A_296 = tpu.memref_squeeze %dma_wait3A_295 : memref<1x1x256x64xf32, #tpu.memory_space<vmem_shared>> -> memref<256x64xf32, #tpu.memory_space<vmem_shared>>
        %dma_wait3A_297 = arith.constant 0 : i32
        %dma_wait3A_298 = arith.constant 0 : i32
        %dma_wait3A_299 = tpu.memref_slice %arg6[%run_scoped3A_195, %dma_wait3A_297, %dma_wait3A_298] : memref<4x256x64xf32, #tpu.memory_space<vmem>> -> memref<1x256x64xf32, #tpu.memory_space<vmem>>
        %dma_wait3A_300 = tpu.memref_squeeze %dma_wait3A_299 : memref<1x256x64xf32, #tpu.memory_space<vmem>> -> memref<256x64xf32, #tpu.memory_space<vmem>>
        tpu.wait_dma2 semaphore(%run_scoped3A_268 : memref<!tpu.dma_semaphore, #tpu.memory_space<semaphore_mem>>) src(%dma_wait3A_300 : memref<256x64xf32, #tpu.memory_space<vmem>>) dst(%dma_wait3A_296 : memref<256x64xf32, #tpu.memory_space<vmem_shared>>)
        tpu.yield
      }) : () -> ()
      %mul3A_197 = arith.constant 4 : i32
      %mul3A_198 = arith.muli %scan3A_86, %mul3A_197 : i32
      %add3A_199 = arith.constant 2 : i32
      %add3A_200 = arith.addi %mul3A_198, %add3A_199 : i32
      %mul3A_201 = arith.constant 256 : i32
      %mul3A_202 = arith.muli %add3A_200, %mul3A_201 : i32
      %add3A_203 = arith.addi %mul3A_2, %mul3A_202 : i32
      %dma_start3A_204 = arith.constant 0 : i32
      %dma_start3A_205 = arith.constant 0 : i32
      %dma_start3A_206 = tpu.memref_slice %arg9[%dma_start3A_205] : memref<2x!tpu.dma_semaphore, #tpu.memory_space<semaphore_mem>> -> memref<1x!tpu.dma_semaphore, #tpu.memory_space<semaphore_mem>>
      %dma_start3A_207 = tpu.memref_squeeze %dma_start3A_206 : memref<1x!tpu.dma_semaphore, #tpu.memory_space<semaphore_mem>> -> memref<!tpu.dma_semaphore, #tpu.memory_space<semaphore_mem>>
      %dma_start3A_208 = arith.constant 0 : i32
      %dma_start3A_209 = tpu.memref_slice %arg4[%add3A_203, %dma_start3A_208] : memref<819200x64xf32, #tpu.memory_space<hbm>> -> memref<256x64xf32, #tpu.memory_space<hbm>>
      %dma_start3A_210 = arith.constant 0 : i32
      %dma_start3A_211 = arith.constant 0 : i32
      %dma_start3A_212 = tpu.memref_slice %arg7[%arg1, %dma_start3A_204, %dma_start3A_210, %dma_start3A_211] : memref<16x2x256x64xf32, #tpu.memory_space<vmem_shared>> -> memref<1x1x256x64xf32, #tpu.memory_space<vmem_shared>>
      %dma_start3A_213 = tpu.memref_squeeze %dma_start3A_212 : memref<1x1x256x64xf32, #tpu.memory_space<vmem_shared>> -> memref<256x64xf32, #tpu.memory_space<vmem_shared>>
      tpu.enqueue_dma source(%dma_start3A_213 : memref<256x64xf32, #tpu.memory_space<vmem_shared>>) target(%dma_start3A_209 : memref<256x64xf32, #tpu.memory_space<hbm>>) target_semaphore(%dma_start3A_207 : memref<!tpu.dma_semaphore, #tpu.memory_space<semaphore_mem>>)
      %lt3A_214 = arith.constant 24 : i32
      %lt3A_215 = arith.cmpi slt, %scan3A_86, %lt3A_214 : i32
      %convert_element_type3A_216 = arith.extui %lt3A_215 : i1 to i32
      %cond3A_217 = arith.constant 0 : i32
      %cond3A_218 = arith.cmpi ne, %convert_element_type3A_216, %cond3A_217 : i32
      scf.if %cond3A_218 {
        %add3A_268 = arith.constant 1 : i32
        %add3A_269 = arith.addi %scan3A_86, %add3A_268 : i32
        %mul3A_270 = arith.constant 4 : i32
        %mul3A_271 = arith.muli %add3A_269, %mul3A_270 : i32
        %add3A_272 = arith.constant 2 : i32
        %add3A_273 = arith.addi %mul3A_271, %add3A_272 : i32
        %dma_start3A_274 = arith.constant 2 : i32
        %dma_start3A_275 = arith.constant 2 : i32
        %dma_start3A_276 = arith.constant 0 : i32
        %dma_start3A_277 = arith.constant 0 : i32
        %dma_start3A_278 = tpu.memref_slice %arg6[%dma_start3A_274, %dma_start3A_276, %dma_start3A_277] : memref<4x256x64xf32, #tpu.memory_space<vmem>> -> memref<1x256x64xf32, #tpu.memory_space<vmem>>
        %dma_start3A_279 = tpu.memref_squeeze %dma_start3A_278 : memref<1x256x64xf32, #tpu.memory_space<vmem>> -> memref<256x64xf32, #tpu.memory_space<vmem>>
        %dma_start3A_280 = arith.constant 0 : i32
        %dma_start3A_281 = tpu.memref_slice %arg5[%add3A_273, %dma_start3A_280] : memref<100x256xi32, #tpu.memory_space<vmem>> -> memref<1x256xi32, #tpu.memory_space<vmem>>
        %dma_start3A_282 = tpu.memref_squeeze %dma_start3A_281 : memref<1x256xi32, #tpu.memory_space<vmem>> -> memref<256xi32, #tpu.memory_space<vmem>>
        %dma_start3A_283 = arith.constant 0 : i32
        %dma_start3A_284 = arith.constant 0 : i32
        %dma_start3A_285 = tpu.memref_slice %arg3[%dma_start3A_283, %dma_start3A_284] : memref<1000000x64xf32, #tpu.memory_space<hbm>> -> memref<1000000x64xf32, #tpu.memory_space<hbm>>
        %dma_start3A_286 = tpu.memref_slice %arg8[%dma_start3A_275] : memref<4x!tpu.dma_semaphore, #tpu.memory_space<semaphore_mem>> -> memref<1x!tpu.dma_semaphore, #tpu.memory_space<semaphore_mem>>
        %dma_start3A_287 = tpu.memref_squeeze %dma_start3A_286 : memref<1x!tpu.dma_semaphore, #tpu.memory_space<semaphore_mem>> -> memref<!tpu.dma_semaphore, #tpu.memory_space<semaphore_mem>>
        tpu.enqueue_indirect_dma source(%dma_start3A_285 : memref<1000000x64xf32, #tpu.memory_space<hbm>>) target(%dma_start3A_279 : memref<256x64xf32, #tpu.memory_space<vmem>>) offsets(%dma_start3A_282 : memref<256xi32, #tpu.memory_space<vmem>>) semaphore(%dma_start3A_287 : memref<!tpu.dma_semaphore, #tpu.memory_space<semaphore_mem>>)
      } else {
      }
      %dma_wait3A_219 = arith.constant 0 : i32
      %dma_wait3A_220 = arith.constant 3 : i32
      %dma_wait3A_221 = arith.constant 3 : i32
      %dma_wait3A_222 = arith.constant 0 : i32
      %dma_wait3A_223 = arith.constant 0 : i32
      %dma_wait3A_224 = tpu.memref_slice %arg6[%dma_wait3A_220, %dma_wait3A_222, %dma_wait3A_223] : memref<4x256x64xf32, #tpu.memory_space<vmem>> -> memref<1x256x64xf32, #tpu.memory_space<vmem>>
      %dma_wait3A_225 = tpu.memref_squeeze %dma_wait3A_224 : memref<1x256x64xf32, #tpu.memory_space<vmem>> -> memref<256x64xf32, #tpu.memory_space<vmem>>
      %dma_wait3A_226 = arith.constant 0 : i32
      %dma_wait3A_227 = tpu.memref_slice %arg5[%dma_wait3A_219, %dma_wait3A_226] : memref<100x256xi32, #tpu.memory_space<vmem>> -> memref<1x256xi32, #tpu.memory_space<vmem>>
      %dma_wait3A_228 = tpu.memref_squeeze %dma_wait3A_227 : memref<1x256xi32, #tpu.memory_space<vmem>> -> memref<256xi32, #tpu.memory_space<vmem>>
      %dma_wait3A_229 = arith.constant 0 : i32
      %dma_wait3A_230 = arith.constant 0 : i32
      %dma_wait3A_231 = tpu.memref_slice %arg3[%dma_wait3A_229, %dma_wait3A_230] : memref<1000000x64xf32, #tpu.memory_space<hbm>> -> memref<1000000x64xf32, #tpu.memory_space<hbm>>
      %dma_wait3A_232 = tpu.memref_slice %arg8[%dma_wait3A_221] : memref<4x!tpu.dma_semaphore, #tpu.memory_space<semaphore_mem>> -> memref<1x!tpu.dma_semaphore, #tpu.memory_space<semaphore_mem>>
      %dma_wait3A_233 = tpu.memref_squeeze %dma_wait3A_232 : memref<1x!tpu.dma_semaphore, #tpu.memory_space<semaphore_mem>> -> memref<!tpu.dma_semaphore, #tpu.memory_space<semaphore_mem>>
      tpu.wait_indirect_dma semaphore(%dma_wait3A_233 : memref<!tpu.dma_semaphore, #tpu.memory_space<semaphore_mem>>) src(%dma_wait3A_231 : memref<1000000x64xf32, #tpu.memory_space<hbm>>) dst(%dma_wait3A_225 : memref<256x64xf32, #tpu.memory_space<vmem>>)
      %dma_wait3A_234 = arith.constant 1 : i32
      %dma_wait3A_235 = arith.constant 1 : i32
      %dma_wait3A_236 = tpu.memref_slice %arg9[%dma_wait3A_235] : memref<2x!tpu.dma_semaphore, #tpu.memory_space<semaphore_mem>> -> memref<1x!tpu.dma_semaphore, #tpu.memory_space<semaphore_mem>>
      %dma_wait3A_237 = tpu.memref_squeeze %dma_wait3A_236 : memref<1x!tpu.dma_semaphore, #tpu.memory_space<semaphore_mem>> -> memref<!tpu.dma_semaphore, #tpu.memory_space<semaphore_mem>>
      %dma_wait3A_238 = arith.constant 0 : i32
      %dma_wait3A_239 = tpu.memref_slice %arg4[%mul3A_2, %dma_wait3A_238] : memref<819200x64xf32, #tpu.memory_space<hbm>> -> memref<256x64xf32, #tpu.memory_space<hbm>>
      %dma_wait3A_240 = arith.constant 0 : i32
      %dma_wait3A_241 = arith.constant 0 : i32
      %dma_wait3A_242 = tpu.memref_slice %arg7[%arg1, %dma_wait3A_234, %dma_wait3A_240, %dma_wait3A_241] : memref<16x2x256x64xf32, #tpu.memory_space<vmem_shared>> -> memref<1x1x256x64xf32, #tpu.memory_space<vmem_shared>>
      %dma_wait3A_243 = tpu.memref_squeeze %dma_wait3A_242 : memref<1x1x256x64xf32, #tpu.memory_space<vmem_shared>> -> memref<256x64xf32, #tpu.memory_space<vmem_shared>>
      tpu.wait_dma2 semaphore(%dma_wait3A_237 : memref<!tpu.dma_semaphore, #tpu.memory_space<semaphore_mem>>) src(%dma_wait3A_243 : memref<256x64xf32, #tpu.memory_space<vmem_shared>>) dst(%dma_wait3A_239 : memref<256x64xf32, #tpu.memory_space<hbm>>)
      %run_scoped3A_244 = arith.constant 3 : i32
      %run_scoped3A_245 = arith.constant 1 : i32
      "tpu.region"() ({
        %run_scoped3A_268 = tpu.sem_alloc : memref<!tpu.dma_semaphore, #tpu.memory_space<semaphore_mem>>
        %dma_start3A_269 = arith.constant 0 : i32
        %dma_start3A_270 = arith.constant 0 : i32
        %dma_start3A_271 = tpu.memref_slice %arg6[%run_scoped3A_244, %dma_start3A_269, %dma_start3A_270] : memref<4x256x64xf32, #tpu.memory_space<vmem>> -> memref<1x256x64xf32, #tpu.memory_space<vmem>>
        %dma_start3A_272 = tpu.memref_squeeze %dma_start3A_271 : memref<1x256x64xf32, #tpu.memory_space<vmem>> -> memref<256x64xf32, #tpu.memory_space<vmem>>
        %dma_start3A_273 = arith.constant 0 : i32
        %dma_start3A_274 = arith.constant 0 : i32
        %dma_start3A_275 = tpu.memref_slice %arg7[%arg1, %run_scoped3A_245, %dma_start3A_273, %dma_start3A_274] : memref<16x2x256x64xf32, #tpu.memory_space<vmem_shared>> -> memref<1x1x256x64xf32, #tpu.memory_space<vmem_shared>>
        %dma_start3A_276 = tpu.memref_squeeze %dma_start3A_275 : memref<1x1x256x64xf32, #tpu.memory_space<vmem_shared>> -> memref<256x64xf32, #tpu.memory_space<vmem_shared>>
        %dma_start3A_277 = arith.constant 0 : i32
        %dma_start3A_278 = arith.constant 0 : i32
        %dma_start3A_279 = tpu.memref_slice %arg7[%arg1, %run_scoped3A_245, %dma_start3A_277, %dma_start3A_278] : memref<16x2x256x64xf32, #tpu.memory_space<vmem_shared>> -> memref<1x1x256x64xf32, #tpu.memory_space<vmem_shared>>
        %dma_start3A_280 = tpu.memref_squeeze %dma_start3A_279 : memref<1x1x256x64xf32, #tpu.memory_space<vmem_shared>> -> memref<256x64xf32, #tpu.memory_space<vmem_shared>>
        %dma_start3A_281 = arith.constant 0 : i32
        %dma_start3A_282 = arith.constant 0 : i32
        %dma_start3A_283 = tpu.memref_slice %arg6[%run_scoped3A_244, %dma_start3A_281, %dma_start3A_282] : memref<4x256x64xf32, #tpu.memory_space<vmem>> -> memref<1x256x64xf32, #tpu.memory_space<vmem>>
        %dma_start3A_284 = tpu.memref_squeeze %dma_start3A_283 : memref<1x256x64xf32, #tpu.memory_space<vmem>> -> memref<256x64xf32, #tpu.memory_space<vmem>>
        tpu.enqueue_dma source(%dma_start3A_284 : memref<256x64xf32, #tpu.memory_space<vmem>>) target(%dma_start3A_280 : memref<256x64xf32, #tpu.memory_space<vmem_shared>>) target_semaphore(%run_scoped3A_268 : memref<!tpu.dma_semaphore, #tpu.memory_space<semaphore_mem>>)
        %dma_wait3A_285 = arith.constant 0 : i32
        %dma_wait3A_286 = arith.constant 0 : i32
        %dma_wait3A_287 = tpu.memref_slice %arg6[%run_scoped3A_244, %dma_wait3A_285, %dma_wait3A_286] : memref<4x256x64xf32, #tpu.memory_space<vmem>> -> memref<1x256x64xf32, #tpu.memory_space<vmem>>
        %dma_wait3A_288 = tpu.memref_squeeze %dma_wait3A_287 : memref<1x256x64xf32, #tpu.memory_space<vmem>> -> memref<256x64xf32, #tpu.memory_space<vmem>>
        %dma_wait3A_289 = arith.constant 0 : i32
        %dma_wait3A_290 = arith.constant 0 : i32
        %dma_wait3A_291 = tpu.memref_slice %arg7[%arg1, %run_scoped3A_245, %dma_wait3A_289, %dma_wait3A_290] : memref<16x2x256x64xf32, #tpu.memory_space<vmem_shared>> -> memref<1x1x256x64xf32, #tpu.memory_space<vmem_shared>>
        %dma_wait3A_292 = tpu.memref_squeeze %dma_wait3A_291 : memref<1x1x256x64xf32, #tpu.memory_space<vmem_shared>> -> memref<256x64xf32, #tpu.memory_space<vmem_shared>>
        %dma_wait3A_293 = arith.constant 0 : i32
        %dma_wait3A_294 = arith.constant 0 : i32
        %dma_wait3A_295 = tpu.memref_slice %arg7[%arg1, %run_scoped3A_245, %dma_wait3A_293, %dma_wait3A_294] : memref<16x2x256x64xf32, #tpu.memory_space<vmem_shared>> -> memref<1x1x256x64xf32, #tpu.memory_space<vmem_shared>>
        %dma_wait3A_296 = tpu.memref_squeeze %dma_wait3A_295 : memref<1x1x256x64xf32, #tpu.memory_space<vmem_shared>> -> memref<256x64xf32, #tpu.memory_space<vmem_shared>>
        %dma_wait3A_297 = arith.constant 0 : i32
        %dma_wait3A_298 = arith.constant 0 : i32
        %dma_wait3A_299 = tpu.memref_slice %arg6[%run_scoped3A_244, %dma_wait3A_297, %dma_wait3A_298] : memref<4x256x64xf32, #tpu.memory_space<vmem>> -> memref<1x256x64xf32, #tpu.memory_space<vmem>>
        %dma_wait3A_300 = tpu.memref_squeeze %dma_wait3A_299 : memref<1x256x64xf32, #tpu.memory_space<vmem>> -> memref<256x64xf32, #tpu.memory_space<vmem>>
        tpu.wait_dma2 semaphore(%run_scoped3A_268 : memref<!tpu.dma_semaphore, #tpu.memory_space<semaphore_mem>>) src(%dma_wait3A_300 : memref<256x64xf32, #tpu.memory_space<vmem>>) dst(%dma_wait3A_296 : memref<256x64xf32, #tpu.memory_space<vmem_shared>>)
        tpu.yield
      }) : () -> ()
      %mul3A_246 = arith.constant 4 : i32
      %mul3A_247 = arith.muli %scan3A_86, %mul3A_246 : i32
      %add3A_248 = arith.constant 3 : i32
      %add3A_249 = arith.addi %mul3A_247, %add3A_248 : i32
      %mul3A_250 = arith.constant 256 : i32
      %mul3A_251 = arith.muli %add3A_249, %mul3A_250 : i32
      %add3A_252 = arith.addi %mul3A_2, %mul3A_251 : i32
      %dma_start3A_253 = arith.constant 1 : i32
      %dma_start3A_254 = arith.constant 1 : i32
      %dma_start3A_255 = tpu.memref_slice %arg9[%dma_start3A_254] : memref<2x!tpu.dma_semaphore, #tpu.memory_space<semaphore_mem>> -> memref<1x!tpu.dma_semaphore, #tpu.memory_space<semaphore_mem>>
      %dma_start3A_256 = tpu.memref_squeeze %dma_start3A_255 : memref<1x!tpu.dma_semaphore, #tpu.memory_space<semaphore_mem>> -> memref<!tpu.dma_semaphore, #tpu.memory_space<semaphore_mem>>
      %dma_start3A_257 = arith.constant 0 : i32
      %dma_start3A_258 = tpu.memref_slice %arg4[%add3A_252, %dma_start3A_257] : memref<819200x64xf32, #tpu.memory_space<hbm>> -> memref<256x64xf32, #tpu.memory_space<hbm>>
      %dma_start3A_259 = arith.constant 0 : i32
      %dma_start3A_260 = arith.constant 0 : i32
      %dma_start3A_261 = tpu.memref_slice %arg7[%arg1, %dma_start3A_253, %dma_start3A_259, %dma_start3A_260] : memref<16x2x256x64xf32, #tpu.memory_space<vmem_shared>> -> memref<1x1x256x64xf32, #tpu.memory_space<vmem_shared>>
      %dma_start3A_262 = tpu.memref_squeeze %dma_start3A_261 : memref<1x1x256x64xf32, #tpu.memory_space<vmem_shared>> -> memref<256x64xf32, #tpu.memory_space<vmem_shared>>
      tpu.enqueue_dma source(%dma_start3A_262 : memref<256x64xf32, #tpu.memory_space<vmem_shared>>) target(%dma_start3A_258 : memref<256x64xf32, #tpu.memory_space<hbm>>) target_semaphore(%dma_start3A_256 : memref<!tpu.dma_semaphore, #tpu.memory_space<semaphore_mem>>)
      %lt3A_263 = arith.constant 24 : i32
      %lt3A_264 = arith.cmpi slt, %scan3A_86, %lt3A_263 : i32
      %convert_element_type3A_265 = arith.extui %lt3A_264 : i1 to i32
      %cond3A_266 = arith.constant 0 : i32
      %cond3A_267 = arith.cmpi ne, %convert_element_type3A_265, %cond3A_266 : i32
      scf.if %cond3A_267 {
        %add3A_268 = arith.constant 1 : i32
        %add3A_269 = arith.addi %scan3A_86, %add3A_268 : i32
        %mul3A_270 = arith.constant 4 : i32
        %mul3A_271 = arith.muli %add3A_269, %mul3A_270 : i32
        %add3A_272 = arith.constant 3 : i32
        %add3A_273 = arith.addi %mul3A_271, %add3A_272 : i32
        %dma_start3A_274 = arith.constant 3 : i32
        %dma_start3A_275 = arith.constant 3 : i32
        %dma_start3A_276 = arith.constant 0 : i32
        %dma_start3A_277 = arith.constant 0 : i32
        %dma_start3A_278 = tpu.memref_slice %arg6[%dma_start3A_274, %dma_start3A_276, %dma_start3A_277] : memref<4x256x64xf32, #tpu.memory_space<vmem>> -> memref<1x256x64xf32, #tpu.memory_space<vmem>>
        %dma_start3A_279 = tpu.memref_squeeze %dma_start3A_278 : memref<1x256x64xf32, #tpu.memory_space<vmem>> -> memref<256x64xf32, #tpu.memory_space<vmem>>
        %dma_start3A_280 = arith.constant 0 : i32
        %dma_start3A_281 = tpu.memref_slice %arg5[%add3A_273, %dma_start3A_280] : memref<100x256xi32, #tpu.memory_space<vmem>> -> memref<1x256xi32, #tpu.memory_space<vmem>>
        %dma_start3A_282 = tpu.memref_squeeze %dma_start3A_281 : memref<1x256xi32, #tpu.memory_space<vmem>> -> memref<256xi32, #tpu.memory_space<vmem>>
        %dma_start3A_283 = arith.constant 0 : i32
        %dma_start3A_284 = arith.constant 0 : i32
        %dma_start3A_285 = tpu.memref_slice %arg3[%dma_start3A_283, %dma_start3A_284] : memref<1000000x64xf32, #tpu.memory_space<hbm>> -> memref<1000000x64xf32, #tpu.memory_space<hbm>>
        %dma_start3A_286 = tpu.memref_slice %arg8[%dma_start3A_275] : memref<4x!tpu.dma_semaphore, #tpu.memory_space<semaphore_mem>> -> memref<1x!tpu.dma_semaphore, #tpu.memory_space<semaphore_mem>>
        %dma_start3A_287 = tpu.memref_squeeze %dma_start3A_286 : memref<1x!tpu.dma_semaphore, #tpu.memory_space<semaphore_mem>> -> memref<!tpu.dma_semaphore, #tpu.memory_space<semaphore_mem>>
        tpu.enqueue_indirect_dma source(%dma_start3A_285 : memref<1000000x64xf32, #tpu.memory_space<hbm>>) target(%dma_start3A_279 : memref<256x64xf32, #tpu.memory_space<vmem>>) offsets(%dma_start3A_282 : memref<256xi32, #tpu.memory_space<vmem>>) semaphore(%dma_start3A_287 : memref<!tpu.dma_semaphore, #tpu.memory_space<semaphore_mem>>)
      } else {
      }
    }
    %scan3A_66 = arith.constant 25 : i32
    %dma_wait3A = arith.constant 0 : i32
    %dma_wait3A_67 = arith.constant 0 : i32
    %dma_wait3A_68 = tpu.memref_slice %arg9[%dma_wait3A_67] : memref<2x!tpu.dma_semaphore, #tpu.memory_space<semaphore_mem>> -> memref<1x!tpu.dma_semaphore, #tpu.memory_space<semaphore_mem>>
    %dma_wait3A_69 = tpu.memref_squeeze %dma_wait3A_68 : memref<1x!tpu.dma_semaphore, #tpu.memory_space<semaphore_mem>> -> memref<!tpu.dma_semaphore, #tpu.memory_space<semaphore_mem>>
    %dma_wait3A_70 = arith.constant 0 : i32
    %dma_wait3A_71 = tpu.memref_slice %arg4[%mul3A_2, %dma_wait3A_70] : memref<819200x64xf32, #tpu.memory_space<hbm>> -> memref<256x64xf32, #tpu.memory_space<hbm>>
    %dma_wait3A_72 = arith.constant 0 : i32
    %dma_wait3A_73 = arith.constant 0 : i32
    %dma_wait3A_74 = tpu.memref_slice %arg7[%arg1, %dma_wait3A, %dma_wait3A_72, %dma_wait3A_73] : memref<16x2x256x64xf32, #tpu.memory_space<vmem_shared>> -> memref<1x1x256x64xf32, #tpu.memory_space<vmem_shared>>
    %dma_wait3A_75 = tpu.memref_squeeze %dma_wait3A_74 : memref<1x1x256x64xf32, #tpu.memory_space<vmem_shared>> -> memref<256x64xf32, #tpu.memory_space<vmem_shared>>
    tpu.wait_dma2 semaphore(%dma_wait3A_69 : memref<!tpu.dma_semaphore, #tpu.memory_space<semaphore_mem>>) src(%dma_wait3A_75 : memref<256x64xf32, #tpu.memory_space<vmem_shared>>) dst(%dma_wait3A_71 : memref<256x64xf32, #tpu.memory_space<hbm>>)
    %dma_wait3A_76 = arith.constant 1 : i32
    %dma_wait3A_77 = arith.constant 1 : i32
    %dma_wait3A_78 = tpu.memref_slice %arg9[%dma_wait3A_77] : memref<2x!tpu.dma_semaphore, #tpu.memory_space<semaphore_mem>> -> memref<1x!tpu.dma_semaphore, #tpu.memory_space<semaphore_mem>>
    %dma_wait3A_79 = tpu.memref_squeeze %dma_wait3A_78 : memref<1x!tpu.dma_semaphore, #tpu.memory_space<semaphore_mem>> -> memref<!tpu.dma_semaphore, #tpu.memory_space<semaphore_mem>>
    %dma_wait3A_80 = arith.constant 0 : i32
    %dma_wait3A_81 = tpu.memref_slice %arg4[%mul3A_2, %dma_wait3A_80] : memref<819200x64xf32, #tpu.memory_space<hbm>> -> memref<256x64xf32, #tpu.memory_space<hbm>>
    %dma_wait3A_82 = arith.constant 0 : i32
    %dma_wait3A_83 = arith.constant 0 : i32
    %dma_wait3A_84 = tpu.memref_slice %arg7[%arg1, %dma_wait3A_76, %dma_wait3A_82, %dma_wait3A_83] : memref<16x2x256x64xf32, #tpu.memory_space<vmem_shared>> -> memref<1x1x256x64xf32, #tpu.memory_space<vmem_shared>>
    %dma_wait3A_85 = tpu.memref_squeeze %dma_wait3A_84 : memref<1x1x256x64xf32, #tpu.memory_space<vmem_shared>> -> memref<256x64xf32, #tpu.memory_space<vmem_shared>>
    tpu.wait_dma2 semaphore(%dma_wait3A_79 : memref<!tpu.dma_semaphore, #tpu.memory_space<semaphore_mem>>) src(%dma_wait3A_85 : memref<256x64xf32, #tpu.memory_space<vmem_shared>>) dst(%dma_wait3A_81 : memref<256x64xf32, #tpu.memory_space<hbm>>)
    return
  }
}

</mosaic_0001>

<sc_bundles>
// kernel: kernel.3.cloned.1.call-start
scs
__scs_entry_jumppad:
0x0: {  	(pc) =	sbr.rel $0x88, $3  }
0x1: {  	(tag) =	ssettag $0x0;
	lr =	simm.s32 $0x1  }
0x2: {  	[smem:$0x3F9F] =	sst lr;
	_ =	strace $0xD0000000  }
0x3: {  	_ = 	snop  }
0x4: {  	_ = 	snop  }
0x5: {  	_ = 	snop  }
0x6: {  	_ = 	snop  }
0x7: {  	_ = 	snop  }
__scs_overlays_trampoline_lowered:
0x8: {  	[smem:$0x3FAE] =	sst s0  }
0x9: {  	[smem:$0x3FAF] =	sst s1  }
0xa: {  	[smem:$0x3FB0] =	sst s2  }
0xb: {  	[smem:$0x3FB1] =	sst s3  }
0xc: {  	[smem:$0x3FB2] =	sst s4  }
0xd: {  	[smem:$0x3FB3] =	sst s5  }
0xe: {  	[smem:$0x3FB4] =	sst s6  }
0xf: {  	[smem:$0x3FB5] =	sst s7  }
0x10: {  	[smem:$0x3FB6] =	sst s8  }
0x11: {  	[smem:$0x3FB7] =	sst s9;
	s0 =	simm.s32 @!p0 $0x0  }
0x12: {  	s1 =	sld [smem:$0x3F9D];
	s0 =	simm.s32 @p0 $0x1  }
0x13: {  	[smem:$0x3FB8] =	sst s0;
	s0 =	simm.s32 @!p1 $0x0  }
0x14: {  	s2 =	sld [smem:$0x3F9C];
	s0 =	simm.s32 @p1 $0x1  }
0x15: {  	[smem:$0x3FB9] =	sst s0;
	s0 =	simm.s32 @!p2 $0x0  }
0x16: {  	s3 =	sld [smem:$0x3FDB];
	s0 =	simm.s32 @p2 $0x1  }
0x17: {  	s4 =	simm.s32 $0x1BF5;
	[smem:$0x3FBB] =	sst s0  }
0x18: {  	s0 =	sld [smem:$0x3F9E];
	_ =	swait.ge [sflag:s4], $0x0  }
0x19: {  	s7 =	sld [smem:$0x3F9F]  }
0x1a: {  	s8 =	sadd.s32 $0xFFFFE003, lr  }
0x1b: {  	s9 =	sadd.s32 $0xFFFFFEF7, lr;
	s5 =	simm.s32 $0xFFFFFFFF;
	p2 =	slt.u32 s8, $0xFFFFF086  }
0x1c: {  	p1 =	slt.u32 s9, $0xF7A;
	s5 =	simm.s32 @!p2 $0x0  }
0x1d: {  	s5 =	simm.s32 @p1 $0x1;
	p0 =	seq.s32 s7, s2  }
0x1e: {  	s7 =	smul.u32 @!p0 $0xF7A, s2;
	p2 =	seq.s32 @!p0 s5, $0x0  }
0x1f: {  	s9 =	smul.u32 $0xF7A, s1;
	s8 =	simm.s32 @!p0 $0x1BF5;
	p2 =	por !p2, p0  }
0x20: {  	[sflag:s8] =	ssyncset.s32 @!p0 $0xFFFFF086;
	s6 =	sadd.s32 @!p0 s3, s7;
	s7 =	simm.s32 @!p0 $0x108  }
0x21: {  	s3 =	sadd.s32 s3, s9;
	s6 =	sadd.s32 @!p0 $0x88, s6;
	s7 =	simm.s32 @p2 $0x1082  }
0x22: {  	[simem:s7], [sflag:s8] =	dma.local @!p0 [hbm:s6], $0xF7A  }
0x23: {  	s9 =	sor.u32 $0xD0000000, s2;
	s6 =	simm.s32 $0x108;
	_ =	swait.ge @!p0 [sflag:s8], $0x0  }
0x24: {  	s3 =	sadd.s32 $0x88, s3;
	s6 =	simm.s32 @!p1 $0x1082;
	[sflag:s4] =	ssyncset.s32 $0xFFFFF086  }
0x25: {  	[simem:s6], [sflag:s4] =	dma.local [hbm:s3], $0xF7A  }
0x26: {  	[smem:$0x3F9F] =	sst s1;
	(tag) =	ssettag s2;
	_ =	strace s9  }
0x27: {  	s1 =	sld [smem:$0x3FAF]  }
0x28: {  	s2 =	sld [smem:$0x3FB0]  }
0x29: {  	s4 =	sld [smem:$0x3FB2]  }
0x2a: {  	p0 =	seq.s32 s5, $0x0;
	s5 =	sld [smem:$0x3FB3]  }
0x2b: {  	s6 =	sld [smem:$0x3FB4]  }
0x2c: {  	s7 =	sld [smem:$0x3FB5]  }
0x2d: {  	s3 =	simm.s32 $0x108;
	s8 =	sld [smem:$0x3FB6]  }
0x2e: {  	s3 =	simm.s32 @!p0 $0x1082;
	s9 =	sld [smem:$0x3FB7]  }
0x2f: {  	lr =	sadd.s32 s0, s3;
	s0 =	sld [smem:$0x3FAE]  }
0x30: {  	s3 =	sld [smem:$0x3FB1]  }
0x31: {  	[smem:$0x3FBA] =	sst s10  }
0x32: {  	s10 =	sld [smem:$0x3FB8];
	_ =	sdelay $0x3  }
0x33: {  	p0 =	seq.s32 s10, $0x1;
	s10 =	sld [smem:$0x3FBA];
	_ =	sdelay $0x3  }
0x34: {  	[smem:$0x3FBA] =	sst s10  }
0x35: {  	s10 =	sld [smem:$0x3FB9];
	_ =	sdelay $0x3  }
0x36: {  	p1 =	seq.s32 s10, $0x1;
	s10 =	sld [smem:$0x3FBA];
	_ =	sdelay $0x3  }
0x37: {  	[smem:$0x3FBA] =	sst s10  }
0x38: {  	s10 =	sld [smem:$0x3FBB]  }
0x39: {  	_ = 	snop;
	(pc) =	sbr.ind lr, $3  }
0x3a: {  	_ = 	snop  }
0x3b: {  	_ = 	snop  }
0x3c: {  	p2 =	seq.s32 s10, $0x1;
	s10 =	sld [smem:$0x3FBA]  }
0x3d: {  	_ =	shalt  }
0x3e: {  	_ =	shalt  }
0x3f: {  	_ =	shalt  }
0x40: {  	_ =	shalt  }
0x41: {  	_ =	shalt  }
0x42: {  	_ =	shalt  }
0x43: {  	_ =	shalt  }
0x44: {  	_ =	shalt  }
0x45: {  	_ =	shalt  }
0x46: {  	_ =	shalt  }
0x47: {  	_ =	shalt  }
0x48: {  	_ =	shalt  }
0x49: {  	_ =	shalt  }
0x4a: {  	_ =	shalt  }
0x4b: {  	_ =	shalt  }
0x4c: {  	_ =	shalt  }
0x4d: {  	_ =	shalt  }
0x4e: {  	_ =	shalt  }
0x4f: {  	_ =	shalt  }
0x50: {  	_ =	shalt  }
0x51: {  	_ =	shalt  }
0x52: {  	_ =	shalt  }
0x53: {  	_ =	shalt  }
0x54: {  	_ =	shalt  }
0x55: {  	_ =	shalt  }
0x56: {  	_ =	shalt  }
0x57: {  	_ =	shalt  }
0x58: {  	_ =	shalt  }
0x59: {  	_ =	shalt  }
0x5a: {  	_ =	shalt  }
0x5b: {  	_ =	shalt  }
0x5c: {  	_ =	shalt  }
0x5d: {  	_ =	shalt  }
0x5e: {  	_ =	shalt  }
0x5f: {  	_ =	shalt  }
0x60: {  	_ =	shalt  }
0x61: {  	_ =	shalt  }
0x62: {  	_ =	shalt  }
0x63: {  	_ =	shalt  }
0x64: {  	_ =	shalt  }
0x65: {  	_ =	shalt  }
0x66: {  	_ =	shalt  }
0x67: {  	_ =	shalt  }
0x68: {  	_ =	shalt  }
0x69: {  	_ =	shalt  }
0x6a: {  	_ =	shalt  }
0x6b: {  	_ =	shalt  }
0x6c: {  	_ =	shalt  }
0x6d: {  	_ =	shalt  }
0x6e: {  	_ =	shalt  }
0x6f: {  	_ =	shalt  }
0x70: {  	_ =	shalt  }
0x71: {  	_ =	shalt  }
0x72: {  	_ =	shalt  }
0x73: {  	_ =	shalt  }
0x74: {  	_ =	shalt  }
0x75: {  	_ =	shalt  }
0x76: {  	_ =	shalt  }
0x77: {  	_ =	shalt  }
0x78: {  	_ =	shalt  }
0x79: {  	_ =	shalt  }
0x7a: {  	_ =	shalt  }
0x7b: {  	_ =	shalt  }
0x7c: {  	_ =	shalt  }
0x7d: {  	_ =	shalt  }
0x7e: {  	_ =	shalt  }
0x7f: {  	_ =	shalt  }
0x80: {  	_ =	shalt  }
0x81: {  	_ =	shalt  }
0x82: {  	_ =	shalt  }
0x83: {  	_ =	shalt  }
0x84: {  	_ =	shalt  }
0x85: {  	_ =	shalt  }
0x86: {  	_ =	shalt  }
0x87: {  	_ =	shalt  }
.Lfunc_end0:
.L_simem_size_0:
called_computation.1_lowered:
.L_overlay_start_0:
0x88: {  	s2 =	sld [smem:$0x3FD9]  }
0x89: {  	s3 =	sld [smem:$0x3FFE];
	_ =	sdelay $0x1  }
0x8a: {  	s1 =	srdreg.scid  }
0x8b: {  	s0 =	sand.u32 $0x1, s1  }
0x8c: {  	s17 =	sshll.u32 s0, $0xA;
	s2 =	sadd.s32 s3, s2  }
0x8d: {  	s2 =	sadd.s32 s2, s17  }
0x8e: {  	[smem:$0x3FC6] =	sst s2  }
0x8f: {  	_ = 	snop  }
0x90: {  	s2 =	sld [smem:$0x3FD0];
	(tm) =	ssettm $0x1  }
0x91: {  	s18 =	sld [smem:$0x3FFB];
	_ =	sdelay $0x3  }
0x92: {  	_ =	strace s18  }
0x93: {  	s3 =	sld [smem:$0x3FFC];
	_ =	sdelay $0x3  }
0x94: {  	_ =	strace s3  }
0x95: {  	s3 =	sld [smem:$0x3FFD];
	_ =	sdelay $0x3  }
0x96: {  	_ =	strace s3  }
0x97: {  	_ =	strace $0x8FFFFFFF  }
0x98: {  	s19 =	sld [smem:$0x3FDB];
	_ =	sdelay $0x1  }
0x99: {  	s4 =	simm.s32 $_scs_section_size  }
0x9a: {  	s5 =	simm.s32 $_size__tile_overlayer_lowered;
	s6 =	simm.s32 $_tile_overlayer_lowered  }
0x9b: {  	s22 =	simm.s32 $0x1BFF;
	s21 =	sshll.u32 s6, $0x1;
	s3 =	sadd.s32 s4, s19  }
0x9c: {  	s7 =	simm.s32 $0x0;
	s20 =	sshll.u32 s5, $0x1;
	s5 =	sadd.s32 s21, s3  }
0x9d: {  	[timem:s7], [sflag:s22] =	dma.local [hbm:s5], s20  }
0x9e: {  	_ =	swait.ge [sflag:s22], s20  }
0x9f: {  	s4 =	ssub.s32 $0x0, s20;
	[sflag:s22] =	ssyncset.done $0x0  }
0xa0: {  	[sflag:s22] =	ssyncadd.s32 s4;
	_ =	sdelay $0x1  }
0xa1: {  	s23 =	simm.s32 $0x1B8B  }
0xa2: {  	_ =	swait.ge [sflag:s23], $0x1  }
0xa3: {  	[sflag:s23] =	ssyncset.done $0x0  }
0xa4: {  	s25 =	simm.s32 $0x1B8E;
	s24 =	sld [smem:$0x3FFE];
	[sflag:s23] =	ssyncadd.s32 $0xFFFFFFFF  }
0xa5: {  	s26 =	simm.s32 $execute0_lowered;
	[smem:$0x3FD2] =	sst s25  }
0xa6: {  	s5 =	sshll.u32 s26, $0x1;
	_ =	strace $0x80000046;
	[dreg:$0x1] =	wrdreg $0xFFFFFFFF  }
0xa7: {  	s28 =	simm.s32 $_size_execute0_lowered;
	s3 =	sadd.s32 s3, s5;
	[dreg:$0x0] =	wrdreg $0x0  }
0xa8: {  	s5 =	sshll.u32 s28, $0x1;
	[dreg:$0x2] =	wrdreg s3  }
0xa9: {  	[dreg:$0x3] =	wrdreg s5  }
0xaa: {  	[dreg:$0x4] =	wrdreg $0xC0  }
0xab: {  	_ =	task [dreg:s7], $0x5FFFF  }
0xac: {  	[dreg:$0x1] =	wrdreg $0xFFFFFFFF  }
0xad: {  	[dreg:$0x0] =	wrdreg $0x60  }
0xae: {  	[dreg:$0x2] =	wrdreg s24  }
0xaf: {  	[dreg:$0x3] =	wrdreg s2  }
0xb0: {  	[dreg:$0x4] =	wrdreg $0x164000  }
0xb1: {  	[dreg:$0x5] =	wrdreg $0x9  }
0xb2: {  	_ =	task.clear_ibuf [dreg:s7], $0x6FFFF;
	_ =	strace $0x90000046  }
0xb3: {  	s29 =	simm.s32 $0x9;
	_ =	strace $0x80000048  }
0xb4: {  	_ =	swait.ge [sflag:s29], $0x1  }
0xb5: {  	[sflag:s29] =	ssyncadd.s32 $0xFFFFFFFF  }
0xb6: {  	_ =	strace $0x90000048  }
0xb7: {  	_ =	sfence  }
0xb8: {  	s30 =	sld [smem:$0x0];
	_ =	sdelay $0x2  }
0xb9: {  	s31 =	sshll.u32 s1, $0xD;
	s1 =	sshrl.u32 s1, $0x2  }
0xba: {  	s3 =	sand.u32 $0x4000, s31;
	s1 =	sadd.s32 s1, s30  }
0xbb: {  	s0 =	sor.u32 s3, s0;
	s1 =	sshll.u32 s1, $0x11  }
0xbc: {  	s0 =	sor.u32 s1, s0  }
0xbd: {  	s0 =	sadd.s32 $0x8F2B, s0  }
0xbe: {  	[sflag:s0] =	ssyncadd.remote.s32 $0x1  }
0xbf: {  	_ =	sfence.sel $0xFFFF  }
0xc0: {  	[dreg:$0x0] =	wrdreg $0xFFFFFFFF;
	(pc) =	sbr.abs _section_cstart, $3  }
0xc1: {  	[dreg:$0x1] =	wrdreg $0xFFFFFFFF  }
0xc2: {  	_ =	task.clear_ibuf [dreg:s7], $0x2FFFF;
	_ =	strace $0x9FFFFFFF  }
0xc3: {  	(tm) =	ssettm $0x7FFFFFFF  }
tec
execute0_lowered:
.L_overlay_start_1:
0x0: {  	(tag) =	ssettag $0x1  }
0x1: {  	s0 =	rddreg [dreg:$0x0]  }
0x2: {  	s1 =	rddreg [dreg:$0x1]  }
0x3: {  	s2 =	srdreg.scid;
	s16 =	stileid.u32  }
0x4: {  	s5 =	rddreg [dreg:$0x2];
	s19 =	simm.s32 $0x0;
	s12 =	simm.s32 $0x7  }
0x5: {  	s13 =	simm.s32 $0x100;
	s14 =	simm.s32 $0x6400;
	s15 =	simm.s32 $0xA400  }
0x6: {  	s17 =	simm.s32 $0xE400;
	s28 =	simm.s32 $0x5;
	s29 =	simm.s32 $0x4  }
0x7: {  	s30 =	simm.s32 $0x0;
	s4 =	sand.u32 $0x1, s2;
	s6 =	smul.u32 $0x320000, s16  }
0x8: {  	s3 =	sshll.u32 s16, $0x1;
	[smem:$0x7FF] =	sst s19;
	s8 =	smul.u32 $0xC800, s16  }
0x9: {  	s23 =	sshll.u32 s16, $0xF;
	s19 =	simm.s32 $0x12400;
	s31 =	sshll.u32 s16, $0x6  }
0xa: {  	s3 =	sor.u32 s4, s3;
	_ =	strace $0x80000047;
	s11 =	smul.u32 $0x6400, s4  }
0xb: {  	s7 =	ssub.s32 $0x2, s4;
	s21 =	smul.u32 $0x190000, s4;
	s5 =	sadd.s32 s23, s5  }
0xc: {  	s23 =	simm.s32 $0x2;
	s3 =	smul.u32 $0x6400, s3;
	s10 =	sshrl.u32 s7, $0x1  }
0xd: {  	s20 =	ssub.s32 s7, s10;
	s8 =	sadd.s32 s11, s8;
	s7 =	sadd.s32 s21, s6  }
0xe: {  	s6 =	sadd.s32 $0x4000, s5;
	s21 =	sor.u32 $0x1C05, s31;
	s3 =	sshrl.u32 s3, $0x3  }
0xf: {  	s8 =	sshll.u32 s8, $0x3;
	s24 =	sshrl.u32 s7, $0x3;
	s9 =	sadd.s32 s3, s0  }
0x10: {  	s3 =	sadd.s32 $0xF42E00, s0;
	s8 =	sadd.s32 s8, s1;
	s0 =	smax.u32 s20, $0x1  }
.Ltmp0:
0x11: {  	s25 =	sadd.s32 s24, s1;
	s20 =	simm.s32 $0x1;
	(pc) =	sbr.rel .LBB2_1-.Ltmp0, $4  }
0x12: {  	s24 =	simm.s32 $0x6;
	s22 =	sadd.s32 $0xA00, s9;
	[dreg:$0x5] =	wrdreg s0  }
0x13: {  	[dreg:$0x6] =	wrdreg s25;
	s26 =	sadd.s32 $0x1800, s8;
	s1 =	sadd.s32 $0x1000, s8  }
0x14: {  	s11 =	sadd.s32 $0x800, s8;
	s25 =	sor.u32 $0x1C06, s31;
	[dreg:$0x4] =	wrdreg s22  }
0x15: {  	[dreg:$0x7] =	wrdreg s26;
	s22 =	sshrl.u32 s5, $0x3;
	s26 =	simm.s32 $0x3  }
.LBB2_8:
0x16: {  	_ =	swait.ge [sflag:s28], $0x800  }
0x17: {  	[sflag:s28] =	ssyncset.done $0x0  }
0x18: {  	[sflag:s28] =	ssyncadd.s32 $0xFFFFF800  }
0x19: {  	_ =	swait.ge [sflag:s24], $0x800  }
0x1a: {  	s30 =	sadd.s32 $0x1, s30;
	s0 =	rddreg [dreg:$0x5]  }
0x1b: {  	p0 =	sne.s32 s30, s0  }
.Ltmp1:
0x1c: {  	_ = 	snop;
	(pc) =	sbr.rel @!p0 .LBB2_9-.Ltmp1, $3  }
0x1d: {  	_ =	sdelay $0x1  }
0x1e: {  	[sflag:s24] =	ssyncset.done $0x0  }
0x1f: {  	[sflag:s24] =	ssyncadd.s32 $0xFFFFF800  }
.LBB2_1:
0x20: {  	s0 =	simm.s32 $0x0;
	s2 =	rddreg [dreg:$0x4]  }
0x21: {  	[tilespmem:s0], [sflag:$0x7] =	stream.linear.gather [hbm4b:s2+s0], $0x6400, $0x38;
	[tilespmem:$0x1E400] =	vst v63  }
0x22: {  	_ =	swait.ge [sflag:s12], $0x6400  }
0x23: {  	[sflag:s12] =	ssyncset.done $0x0  }
0x24: {  	[sflag:s12] =	ssyncadd.s32 $0xFFFF9C00  }
0x25: {  	[tilespmem:s14], [sflag:$0x1] =	stream.indirect.gather [hbm4b:s3+s13], $0x40, s0, s13, $0xb8;
	[tilespmem:$0x1E400] =	vst v63  }
0x26: {  	_ = 	snop  }
0x27: {  	[tilespmem:s15], [sflag:$0x2] =	stream.indirect.gather [hbm4b:s3+s13], $0x40, s13, s13, $0xb8;
	[tilespmem:$0x1E400] =	vst v63  }
0x28: {  	s16 =	simm.s32 $0x200  }
0x29: {  	[tilespmem:s17], [sflag:$0x3] =	stream.indirect.gather [hbm4b:s3+s13], $0x40, s16, s13, $0xb8;
	[tilespmem:$0x1E400] =	vst v63  }
0x2a: {  	s18 =	simm.s32 $0x300;
	s31 =	smov.u32 s11;
	s9 =	rddreg [dreg:$0x7]  }
0x2b: {  	[tilespmem:s19], [sflag:$0x4] =	stream.indirect.gather [hbm4b:s3+s13], $0x40, s18, s13, $0xb8;
	[tilespmem:$0x1E400] =	vst v63  }
0x2c: {  	s10 =	smov.u32 s1;
	s8 =	rddreg [dreg:$0x6];
	s18 =	simm.s32 $0x0  }
.LBB2_2:
0x2d: {  	_ =	swait.ge [sflag:s20], $0x4000  }
0x2e: {  	p0 =	seq.s32 s18, $0x0;
	[sflag:s20] =	ssyncset.done $0x0  }
0x2f: {  	s2 =	simm.s32 @!p0 $0x5;
	[sflag:s20] =	ssyncadd.s32 $0xFFFFC000  }
0x30: {  	_ =	swait.ge @!p0 [sflag:s2], $0x800  }
0x31: {  	[sflag:s2] =	ssyncset.done @!p0 $0x0  }
0x32: {  	p1 =	sne.s32 s18, $0x18000;
	[sflag:s2] =	ssyncadd.s32 @!p0 $0xFFFFF800  }
0x33: {  	[spmem:s5] =	stream.linear.scatter [tilespmem:s14], [sflag:$0x7], $0x4000, $0x38;
	[tilespmem:$0x1E400] =	vst v63  }
.Ltmp2:
0x34: {  	_ = 	snop;
	(pc) =	sbr.rel @p1 .LBB2_4-.Ltmp2, $4  }
0x35: {  	_ =	swait.ge [sflag:s12], $0x4000  }
0x36: {  	[sflag:s12] =	ssyncset.done $0x0  }
0x37: {  	[sflag:s12] =	ssyncadd.s32 $0xFFFFC000  }
0x38: {  	[hbm:s8], [sflag:s21] =	dma.local [spmem:s22], $0x800  }
.Ltmp3:
0x39: {  	(pc) =	sbr.rel .LBB2_5-.Ltmp3, $4  }
0x3a: {  	_ = 	snop  }
0x3b: {  	_ =	swait.ge [sflag:s23], $0x4000  }
0x3c: {  	[sflag:s23] =	ssyncset.done $0x0  }
0x3d: {  	[sflag:s23] =	ssyncadd.s32 $0xFFFFC000  }
.LBB2_4:
0x3e: {  	s2 =	sshra.s32 s18, $0x2  }
.Ltmp4:
0x3f: {  	s2 =	sadd.s32 $0x400, s2;
	(pc) =	sbr.rel @p0 .LBB2_6-.Ltmp4, $4  }
0x40: {  	[tilespmem:s14], [sflag:$0x1] =	stream.indirect.gather [hbm4b:s3+s13], $0x40, s2, s13, $0xb8;
	[tilespmem:$0x1E400] =	vst v63  }
0x41: {  	_ =	swait.ge [sflag:s23], $0x4000  }
0x42: {  	[sflag:s23] =	ssyncset.done $0x0  }
0x43: {  	[sflag:s23] =	ssyncadd.s32 $0xFFFFC000  }
.LBB2_5:
0x44: {  	_ =	swait.ge [sflag:s24], $0x800  }
0x45: {  	[sflag:s24] =	ssyncset.done $0x0  }
0x46: {  	[sflag:s24] =	ssyncadd.s32 $0xFFFFF800  }
.LBB2_6:
0x47: {  	[spmem:s6] =	stream.linear.scatter [tilespmem:s15], [sflag:$0x7], $0x4000, $0x38;
	[tilespmem:$0x1E400] =	vst v63  }
0x48: {  	p0 =	seq.s32 s18, $0x18000;
	s2 =	sshrl.u32 s6, $0x3;
	_ =	swait.ge [sflag:s12], $0x4000  }
0x49: {  	s4 =	sshra.s32 @!p0 s18, $0x2;
	s16 =	simm.s32 @!p0 $0x100;
	[sflag:s12] =	ssyncset.done $0x0  }
0x4a: {  	s0 =	simm.s32 @!p0 $0xA400;
	s7 =	sadd.s32 @!p0 $0x500, s4;
	[sflag:s12] =	ssyncadd.s32 $0xFFFFC000  }
0x4b: {  	[hbm:s31], [sflag:s25] =	dma.local [spmem:s2], $0x800  }
0x4c: {  	[tilespmem:s0], [sflag:$0x2] =	stream.indirect.gather @!p0 [hbm4b:s3+s16], $0x40, s7, s16, $0xb8;
	[tilespmem:$0x1E400] =	vst v63  }
0x4d: {  	_ =	swait.ge [sflag:s26], $0x4000  }
0x4e: {  	[sflag:s26] =	ssyncset.done $0x0  }
0x4f: {  	[sflag:s26] =	ssyncadd.s32 $0xFFFFC000  }
0x50: {  	_ =	swait.ge [sflag:s28], $0x800  }
0x51: {  	[sflag:s28] =	ssyncset.done $0x0  }
0x52: {  	[sflag:s28] =	ssyncadd.s32 $0xFFFFF800  }
0x53: {  	[spmem:s5] =	stream.linear.scatter [tilespmem:s17], [sflag:$0x7], $0x4000, $0x38;
	[tilespmem:$0x1E400] =	vst v63  }
0x54: {  	_ =	swait.ge [sflag:s12], $0x4000  }
0x55: {  	[sflag:s12] =	ssyncset.done $0x0  }
0x56: {  	s0 =	sadd.s32 @!p0 $0x600, s4;
	s4 =	simm.s32 @!p0 $0xE400;
	[sflag:s12] =	ssyncadd.s32 $0xFFFFC000  }
0x57: {  	[hbm:s10], [sflag:s21] =	dma.local [spmem:s22], $0x800  }
0x58: {  	[tilespmem:s4], [sflag:$0x3] =	stream.indirect.gather @!p0 [hbm4b:s3+s16], $0x40, s0, s16, $0xb8;
	[tilespmem:$0x1E400] =	vst v63  }
0x59: {  	_ =	swait.ge [sflag:s29], $0x4000  }
0x5a: {  	[sflag:s29] =	ssyncset.done $0x0  }
0x5b: {  	[sflag:s29] =	ssyncadd.s32 $0xFFFFC000  }
0x5c: {  	_ =	swait.ge [sflag:s24], $0x800  }
0x5d: {  	[sflag:s24] =	ssyncset.done $0x0  }
0x5e: {  	[sflag:s24] =	ssyncadd.s32 $0xFFFFF800  }
0x5f: {  	[spmem:s6] =	stream.linear.scatter [tilespmem:s19], [sflag:$0x7], $0x4000, $0x38;
	[tilespmem:$0x1E400] =	vst v63  }
.Ltmp5:
0x60: {  	_ = 	snop;
	(pc) =	sbr.rel @p0 .LBB2_8-.Ltmp5, $4  }
0x61: {  	_ =	swait.ge [sflag:s12], $0x4000  }
0x62: {  	[sflag:s12] =	ssyncset.done $0x0  }
0x63: {  	[sflag:s12] =	ssyncadd.s32 $0xFFFFC000  }
0x64: {  	[hbm:s9], [sflag:s25] =	dma.local [spmem:s2], $0x800  }
.Ltmp6:
0x65: {  	(pc) =	sbr.rel .LBB2_2-.Ltmp6, $4  }
0x66: {  	s0 =	sshra.s32 s18, $0x2  }
0x67: {  	s18 =	sadd.s32 $0x1000, s18;
	s8 =	sadd.s32 $0x2000, s8;
	s9 =	sadd.s32 $0x2000, s9  }
0x68: {  	s10 =	sadd.s32 $0x2000, s10;
	s31 =	sadd.s32 $0x2000, s31;
	s0 =	sadd.s32 $0x700, s0  }
0x69: {  	[tilespmem:s19], [sflag:$0x4] =	stream.indirect.gather [hbm4b:s3+s13], $0x40, s0, s13, $0xb8;
	[tilespmem:$0x1E400] =	vst v63  }
.LBB2_9:
0x6a: {  	_ =	sfence.sel $0x180000  }
0x6b: {  	[bflag:$0x0] =	sbarrier.arrive $0xFFFF  }
0x6c: {  	_ =	strace $0x90000047  }
0x6d: {  	s0 =	stileid.u32;
	[bflag:$0x2] =	sbarrier.arrive $0xFFFF  }
0x6e: {  	p0 =	sne.s32 s0, $0x0;
	s0 =	rddreg [dreg:$0x3]  }
0x6f: {  	s0 =	sadd.s32 @!p0 $0x100000, s0  }
0x70: {  	[sflag:s0] =	ssyncadd.tile.s32 @!p0 $0x1;
	_ =	shalt  }
.Lfunc_end2:
_tile_overlayer_lowered:
.L_overlay_start_2:
0x71: {  	(tag) =	ssettag $0x2  }
0x72: {  	s0 =	rddreg [dreg:$0x0];
	s2 =	stileid.u32  }
0x73: {  	s1 =	rddreg [dreg:$0x1];
	p0 =	sne.s32 s2, $0x0  }
0x74: {  	s3 =	rddreg [dreg:$0x2];
	[bflag:$0x3] =	sbarrier.arrive $0xFFFF;
	s2 =	simm.s32 @!p0 $0x1C07  }
0x75: {  	[timem:s3], [sflag:s2] =	dma.local @!p0 [hbm:s0], s1  }
0x76: {  	s0 =	simm.s32 @!p0 $0x7  }
0x77: {  	_ =	swait.ge @!p0 [sflag:s0], s1  }
0x78: {  	s1 =	ssub.s32 @!p0 $0x0, s1;
	[sflag:s0] =	ssyncset.done @!p0 $0x0  }
0x79: {  	[sflag:s0] =	ssyncadd.s32 @!p0 s1  }
0x7a: {  	[bflag:$0x3] =	sbarrier.arrive $0xFFFF  }
0x7b: {  	_ =	shalt  }

// kernel: sparse-core-data-format-call.cloned.1.call-start
scs
called_computation_lowered:
.L_overlay_start_0:
0x0: {  	s2 =	sld [smem:$0x3FD9]  }
0x1: {  	s3 =	sld [smem:$0x3FFE];
	_ =	sdelay $0x1  }
0x2: {  	s1 =	srdreg.scid  }
0x3: {  	s0 =	sand.u32 $0x1, s1  }
0x4: {  	s18 =	sshll.u32 s0, $0xA;
	s2 =	sadd.s32 s3, s2  }
0x5: {  	s2 =	sadd.s32 s2, s18  }
0x6: {  	[smem:$0x3FC6] =	sst s2  }
0x7: {  	_ = 	snop  }
0x8: {  	s2 =	sld [smem:$0x3FD0];
	(tm) =	ssettm $0x1  }
0x9: {  	s19 =	sld [smem:$0x3FFB];
	_ =	sdelay $0x3  }
0xa: {  	_ =	strace s19  }
0xb: {  	s3 =	sld [smem:$0x3FFC];
	_ =	sdelay $0x3  }
0xc: {  	_ =	strace s3  }
0xd: {  	s3 =	sld [smem:$0x3FFD];
	_ =	sdelay $0x3  }
0xe: {  	_ =	strace s3  }
0xf: {  	_ =	strace $0x8FFFFFFF  }
0x10: {  	s20 =	sld [smem:$0x3FDB];
	_ =	sdelay $0x1  }
0x11: {  	s4 =	simm.s32 $_scs_section_size  }
0x12: {  	s5 =	simm.s32 $_size__tile_overlayer_lowered;
	s6 =	simm.s32 $_tile_overlayer_lowered  }
0x13: {  	s23 =	simm.s32 $0x1BFF;
	s22 =	sshll.u32 s6, $0x1;
	s3 =	sadd.s32 s4, s20  }
0x14: {  	s7 =	simm.s32 $0x0;
	s21 =	sshll.u32 s5, $0x1;
	s5 =	sadd.s32 s22, s3  }
0x15: {  	[timem:s7], [sflag:s23] =	dma.local [hbm:s5], s21  }
0x16: {  	_ =	swait.ge [sflag:s23], s21  }
0x17: {  	s4 =	ssub.s32 $0x0, s21;
	[sflag:s23] =	ssyncset.done $0x0  }
0x18: {  	[sflag:s23] =	ssyncadd.s32 s4;
	_ =	sdelay $0x1  }
0x19: {  	s24 =	simm.s32 $0x1B8B  }
0x1a: {  	_ =	swait.ge [sflag:s24], $0x1  }
0x1b: {  	[sflag:s24] =	ssyncset.done $0x0  }
0x1c: {  	s26 =	simm.s32 $0x1B8E;
	s25 =	sld [smem:$0x3FFE];
	[sflag:s24] =	ssyncadd.s32 $0xFFFFFFFF  }
0x1d: {  	s27 =	simm.s32 $execute0_lowered;
	[smem:$0x3FD2] =	sst s26  }
0x1e: {  	s5 =	sshll.u32 s27, $0x1;
	_ =	strace $0x80000049;
	[dreg:$0x1] =	wrdreg $0xFFFFFFFF  }
0x1f: {  	s28 =	simm.s32 $_size_execute0_lowered;
	s3 =	sadd.s32 s3, s5;
	[dreg:$0x0] =	wrdreg $0x0  }
0x20: {  	s5 =	sshll.u32 s28, $0x1;
	[dreg:$0x2] =	wrdreg s3  }
0x21: {  	[dreg:$0x3] =	wrdreg s5  }
0x22: {  	[dreg:$0x4] =	wrdreg $0xC0  }
0x23: {  	_ =	task [dreg:s7], $0x5FFFF  }
0x24: {  	[dreg:$0x1] =	wrdreg $0xFFFFFFFF  }
0x25: {  	[dreg:$0x0] =	wrdreg $0x60  }
0x26: {  	[dreg:$0x2] =	wrdreg s25  }
0x27: {  	[dreg:$0x3] =	wrdreg s2  }
0x28: {  	[dreg:$0x4] =	wrdreg $0x9  }
0x29: {  	_ =	task.clear_ibuf [dreg:s7], $0x5FFFF;
	_ =	strace $0x90000049  }
0x2a: {  	s29 =	simm.s32 $0x9;
	_ =	strace $0x8000004B  }
0x2b: {  	_ =	swait.ge [sflag:s29], $0x1  }
0x2c: {  	[sflag:s29] =	ssyncadd.s32 $0xFFFFFFFF  }
0x2d: {  	_ =	strace $0x9000004B  }
0x2e: {  	_ =	sfence  }
0x2f: {  	s30 =	sld [smem:$0x0];
	_ =	sdelay $0x2  }
0x30: {  	s31 =	sshll.u32 s1, $0xD;
	s1 =	sshrl.u32 s1, $0x2  }
0x31: {  	s3 =	sand.u32 $0x4000, s31;
	s1 =	sadd.s32 s1, s30  }
0x32: {  	s0 =	sor.u32 s3, s0;
	s1 =	sshll.u32 s1, $0x11  }
0x33: {  	s0 =	sor.u32 s1, s0  }
0x34: {  	s0 =	sadd.s32 $0x8F2B, s0  }
0x35: {  	[sflag:s0] =	ssyncadd.remote.s32 $0x1  }
0x36: {  	_ =	sfence.sel $0xFFFF  }
0x37: {  	[dreg:$0x0] =	wrdreg $0xFFFFFFFF;
	(pc) =	sbr.abs _section_cstart, $3  }
0x38: {  	[dreg:$0x1] =	wrdreg $0xFFFFFFFF  }
0x39: {  	_ =	task.clear_ibuf [dreg:s7], $0x2FFFF;
	_ =	strace $0x9FFFFFFF  }
0x3a: {  	(tm) =	ssettm $0x7FFFFFFF  }
0x3b: {  	_ =	shalt  }
tec
execute0_lowered:
.L_overlay_start_1:
0x0: {  	(tag) =	ssettag $0x1  }
0x1: {  	s0 =	srdreg.scid  }
0x2: {  	s1 =	sshll.u32 s0, $0x4  }
0x3: {  	s0 =	stileid.u32;
	s1 =	sand.u32 $0x10, s1  }
0x4: {  	s1 =	sor.u32 s0, s1  }
0x5: {  	s6 =	rddreg [dreg:$0x0];
	s4 =	simm.s32 $0x1;
	s2 =	sshll.u32 s1, $0x7  }
0x6: {  	s7 =	simm.s32 $0x2;
	s12 =	simm.s32 $0x0;
	s1 =	ssub.s32 $0x4000, s2  }
0x7: {  	s8 =	simm.s32 $0x20000;
	s13 =	simm.s32 $0x0;
	s3 =	sand.u32 $0xF80, s1  }
0x8: {  	s9 =	simm.s32 $0x0;
	s5 =	sshrl.u32 s1, $0xC;
	p0 =	sne.s32 s3, $0x0  }
.Ltmp0:
0x9: {  	s1 =	rddreg [dreg:$0x2];
	s4 =	simm.s32 @!p0 $0x0;
	(pc) =	sbr.rel .LBB1_1-.Ltmp0, $4  }
0xa: {  	s11 =	simm.s32 $0x0;
	s3 =	rddreg [dreg:$0x1];
	s5 =	sadd.s32 s4, s5  }
0xb: {  	_ =	strace $0x8000004A;
	s4 =	simm.s32 $0x1;
	s5 =	smul.u32 $0x32, s5  }
0xc: {  	s6 =	sadd.s32 $0xA00, s6;
	s10 =	smov.u32 s2;
	[sflag:s4] =	ssyncpa.u1 $0x0  }
0xd: {  	p0 =	por $0x0, $0x0;
	[sflag:s7] =	ssyncpa.u1 $0x0;
	s7 =	sor.u32 $0x1, s5  }
.LBB1_4:
0xe: {  	s16 =	sshll.u32 s13, $0x3;
	s17 =	sand.u32 $0x78, s13  }
0xf: {  	s30 =	sand.u32 $0x1F800, s13;
	s12 =	sshll.u32 s12, $0x11;
	s16 =	sand.u32 $0x3C00, s16  }
0x10: {  	[tilespmem:s15+$0x810 ss:$0x81] =	vst.msk $0xffff, v2;
	s31 =	sand.u32 $0x7, s13;
	s16 =	sor.u32 s17, s16;
	s17 =	sadd.s32 s3, s30  }
0x11: {  	[tilespmem:s15+$0x1020 ss:$0x81] =	vst.msk $0xffff, v0;
	s13 =	sshll.u32 s31, $0x12;
	s12 =	sadd.s32 s12, s17;
	s16 =	sshrl.u32 s16, $0x3  }
0x12: {  	[tilespmem:s15+$0x0 ss:$0x81] =	vst.msk $0xffff, v1;
	s13 =	sor.u32 $0x400, s13;
	s12 =	sadd.s32 s16, s12  }
0x13: {  	[hbm4b:s12+s13] =	stream.strided.scatter [tilespmem:s14], [sflag:$0x2], $0x2000, s8, s13, $0x20;
	[tilespmem:$0x8080] =	vst v63  }
.LBB1_5:
0x14: {  	s14 =	sadd.s32 $0x1, s9  }
0x15: {  	s12 =	sadd.s32 $0x1000, s10;
	s16 =	smov.u32 s10;
	p2 =	sgt.s32 s14, $0x31  }
0x16: {  	s16 =	smov.u32 @p2 s12  }
0x17: {  	s14 =	simm.s32 @p2 $0x0;
	p2 =	sgt.s32 s16, $0x3FFF  }
0x18: {  	s16 =	smov.u32 @p2 s2;
	p2 =	sne.s32 s11, s7  }
.Ltmp1:
0x19: {  	p1 =	slt.u32 s11, $0x2;
	(pc) =	sbr.rel @!p2 .LBB1_6-.Ltmp1, $4  }
0x1a: {  	s15 =	simm.s32 @!p1 $0x2  }
0x1b: {  	s13 =	smov.u32 s10;
	p0 =	por !p0, !p0;
	_ =	swait.ge @!p1 [sflag:s15], $0x2000  }
0x1c: {  	s12 =	smov.u32 s9;
	[sflag:s15] =	ssyncset.done @!p1 $0x0;
	s9 =	smov.u32 s14  }
0x1d: {  	s11 =	sadd.s32 $0x1, s11;
	[sflag:s15] =	ssyncadd.s32 @!p1 $0xFFFFE000;
	s10 =	smov.u32 s16  }
.LBB1_1:
0x1e: {  	p1 =	sge.u32 s11, s5  }
0x1f: {  	s14 =	sand.u32 @!p1 $0x1FFFFFF, s9  }
0x20: {  	s15 =	smulhi.u32 @!p1 $0x4924925, s14;
	_ =	sdelay $0x1  }
0x21: {  	s15 =	smul.u32 @!p1 $0x38, s15  }
0x22: {  	s16 =	sxor.u32 @!p1 $0xFFFFFFFF, s11;
	s17 =	smul.u32 @!p1 $0x380, s10  }
0x23: {  	s31 =	sadd.s32 $0xFFFFFFFF, s11;
	s16 =	sshll.u32 @!p1 s16, $0xD;
	s14 =	ssub.s32 @!p1 s14, s15  }
0x24: {  	s15 =	sand.u32 @!p1 $0x2000, s16;
	s16 =	sadd.s32 @!p1 s6, s17;
	s14 =	sshll.u32 @!p1 s14, $0x4  }
0x25: {  	s17 =	simm.s32 @!p1 $0x1C00;
	s14 =	sadd.s32 @!p1 s14, s16;
	s16 =	simm.s32 @!p1 $0x40  }
0x26: {  	[tilespmem:s15], [sflag:$0x1] =	stream.strided.gather @!p1 [hbm4b:s14+s16], $0x2000, s17, s16, $0x38;
	[tilespmem:$0x8080] =	vst v63  }
0x27: {  	p1 =	sge.u32 s31, s5  }
.Ltmp2:
0x28: {  	_ = 	snop;
	(pc) =	sbr.rel @p1 .LBB1_5-.Ltmp2, $1  }
0x29: {  	_ =	sdelay $0x3  }
0x2a: {  	s14 =	simm.s32 $0x1  }
0x2b: {  	_ =	swait.ge [sflag:s4], $0x2000;
	s14 =	simm.s32 @!p0 $0x0  }
0x2c: {  	[sflag:s4] =	ssyncset.done $0x0;
	s15 =	sshll.u32 s14, $0xD  }
0x2d: {  	[sflag:s4] =	ssyncadd.s32 $0xFFFFE000;
	s18 =	sor.u32 $0x20, s15  }
0x2e: {  	s14 =	smul.u32 $0x8100, s14;
	v3 =	vld [tilespmem:s18+$0x10]  }
0x2f: {  	s30 =	sand.u32 $0x1, s11;
	v2 =	vld [tilespmem:s18+$0xFFFFFFF0]  }
0x30: {  	s15 =	smul.u32 $0x8100, s30;
	s14 =	sshrl.u32 s14, $0x2;
	v0 =	vld [tilespmem:s18+$0x0]  }
0x31: {  	v1 =	vld [tilespmem:s18+$0xFFFFFFE0];
	s16 =	sor.u32 $0x4000, s14  }
0x32: {  	s31 =	sshrl.u32 s15, $0x2;
	s15 =	sadd.s32 $0x0, s16  }
0x33: {  	s17 =	simm.s32 $0x4;
	s18 =	sadd.s32 $0x40, s18;
	s14 =	sor.u32 $0x4000, s31;
	[tilespmem:s15+$0x1830 ss:$0x81] =	vst.msk $0xffff, v3  }
.LBB1_3:
0x34: {  	v3 =	vld [tilespmem:s18+$0x10];
	p1 =	sne.s32 s17, $0x1FC;
	[tilespmem:s15+$0x810 ss:$0x81] =	vst.msk $0xffff, v2;
	s19 =	smov.u32 s17;
	s17 =	sadd.s32 $0x4, s17  }
.Ltmp3:
0x35: {  	v2 =	vld [tilespmem:s18+$0xFFFFFFF0];
	[tilespmem:s15+$0x1020 ss:$0x81] =	vst.msk $0xffff, v0;
	(pc) =	sbr.rel @p1 .LBB1_3-.Ltmp3, $4  }
0x36: {  	v0 =	vld [tilespmem:s18+$0x0];
	[tilespmem:s15+$0x0 ss:$0x81] =	vst.msk $0xffff, v1  }
0x37: {  	s15 =	sshra.s32 s19, $0x2;
	v1 =	vld [tilespmem:s18+$0xFFFFFFE0]  }
0x38: {  	s15 =	sadd.s32 s15, s16  }
0x39: {  	s18 =	sadd.s32 $0x40, s18;
	[tilespmem:s15+$0x1830 ss:$0x81] =	vst.msk $0xffff, v3  }
.Ltmp4:
0x3a: {  	_ = 	snop;
	(pc) =	sbr.rel .LBB1_4-.Ltmp4, $1  }
0x3b: {  	_ =	sdelay $0x3  }
.LBB1_6:
0x3c: {  	_ =	sfence.sel $0x180000  }
0x3d: {  	s2 =	simm.s32 $0x1;
	[bflag:$0x0] =	sbarrier.arrive $0xFFFF  }
0x3e: {  	s31 =	simm.s32 $0x2;
	[sflag:s2] =	ssyncpa.u1 $0x1  }
0x3f: {  	[sflag:s31] =	ssyncpa.u1 $0x1  }
0x40: {  	p0 =	sne.s32 s0, $0x0;
	_ =	strace $0x9000004A  }
0x41: {  	s0 =	sadd.s32 @!p0 $0x100000, s1;
	[bflag:$0x2] =	sbarrier.arrive $0xFFFF  }
0x42: {  	[sflag:s0] =	ssyncadd.tile.s32 @!p0 $0x1;
	_ =	shalt  }
.Lfunc_end1:
_tile_overlayer_lowered:
.L_overlay_start_2:
0x43: {  	(tag) =	ssettag $0x2  }
0x44: {  	s0 =	rddreg [dreg:$0x0];
	s2 =	stileid.u32  }
0x45: {  	s1 =	rddreg [dreg:$0x1];
	p0 =	sne.s32 s2, $0x0  }
0x46: {  	s3 =	rddreg [dreg:$0x2];
	[bflag:$0x3] =	sbarrier.arrive $0xFFFF;
	s2 =	simm.s32 @!p0 $0x1C01  }
0x47: {  	[timem:s3], [sflag:s2] =	dma.local @!p0 [hbm:s0], s1  }
0x48: {  	s0 =	simm.s32 @!p0 $0x1  }
0x49: {  	_ =	swait.ge @!p0 [sflag:s0], s1  }
0x4a: {  	s1 =	ssub.s32 @!p0 $0x0, s1;
	[sflag:s0] =	ssyncset.done @!p0 $0x0  }
0x4b: {  	[sflag:s0] =	ssyncadd.s32 @!p0 s1  }
0x4c: {  	[bflag:$0x3] =	sbarrier.arrive $0xFFFF  }
0x4d: {  	_ =	shalt  }

</sc_bundles>
